<compile_context>
chip_gen: v7x
topology: tpu7x:2x2x1
jax: 0.10.2.dev20260603
libtpu: 0.0.44.dev20260713+nightly
codegen_flags: <defaults>
</compile_context>

<pallas_src>
import functools

import jax
import jax.numpy as jnp
from jax import lax
from jax.experimental import pallas as pl
from jax.experimental.pallas import tpu as pltpu
from jax.experimental.pallas import tpu_sc as plsc

NC = 2
NS = 16


def _make_deg_kernel(E, NP):
    chunk = 40
    per_sc = E // NC
    per_tile = per_sc // NS
    n_chunks = per_tile // chunk
    sl = NP // NS
    mesh = plsc.VectorSubcoreMesh(core_axis_name="c", subcore_axis_name="s")

    @functools.partial(
        pl.kernel,
        out_type=jax.ShapeDtypeStruct((NC * NP,), jnp.float32),
        mesh=mesh,
        scratch_types=[
            pltpu.VMEM_SHARED((NP,), jnp.float32),
            pltpu.VMEM((chunk,), jnp.int32),
            pltpu.VMEM((chunk,), jnp.float32),
            pltpu.VMEM((sl,), jnp.float32),
        ],
    )
    def deg_kernel(dst_hbm, ones_hbm, zeros_hbm, out_hbm, acc_sh, idx_v, ones_v,
                   stage_v):
        c = lax.axis_index("c")
        s = lax.axis_index("s")
        pltpu.sync_copy(ones_hbm, ones_v)
        pltpu.sync_copy(zeros_hbm.at[pl.ds(s * sl, sl)], stage_v)
        pltpu.sync_copy(stage_v, acc_sh.at[pl.ds(s * sl, sl)])
        plsc.subcore_barrier()

        base0 = c * per_sc + s * per_tile

        @pl.loop(0, n_chunks)
        def _(k):
            pltpu.sync_copy(dst_hbm.at[pl.ds(base0 + k * chunk, chunk)], idx_v)
            pltpu.sync_copy(ones_v, acc_sh.at[idx_v], add=True)

        plsc.subcore_barrier()
        pltpu.sync_copy(acc_sh.at[pl.ds(s * sl, sl)], stage_v)
        pltpu.sync_copy(stage_v, out_hbm.at[pl.ds(c * NP + s * sl, sl)])

    return deg_kernel


def _make_agg_kernel(N, E, Dh, feature_split):
    chunk = 80 if feature_split else 40
    per_tile = E // NS if feature_split else E // (NC * NS)
    n_chunks = per_tile // chunk
    assert n_chunks % 2 == 1 and n_chunks >= 3
    rpt = ((N + NS - 1) // NS + 7) // 8 * 8
    rpt_last = N - (NS - 1) * rpt
    assert 0 < rpt_last <= rpt and rpt_last % 8 == 0
    mesh = plsc.VectorSubcoreMesh(core_axis_name="c", subcore_axis_name="s")

    @functools.partial(
        pl.kernel,
        out_type=jax.ShapeDtypeStruct((NC * N, Dh), jnp.float32),
        mesh=mesh,
        scratch_types=[
            pltpu.VMEM_SHARED((N, Dh), jnp.float32),
            pltpu.VMEM((per_tile,), jnp.int32),
            pltpu.VMEM((per_tile,), jnp.int32),
            pltpu.VMEM((chunk, Dh), jnp.float32),
            pltpu.VMEM((chunk, Dh), jnp.float32),
            pltpu.SemaphoreType.DMA,
            pltpu.SemaphoreType.DMA,
        ],
    )
    def agg_kernel(g_hbm, src_hbm, dst_hbm, out_hbm,
                   acc_sh, gall_v, dall_v, rows0, rows1, sem0, sem1):
        c = lax.axis_index("c")
        s = lax.axis_index("s")
        row0 = s * rpt
        goff = c * N if feature_split else 0
        if feature_split:
            gbase = c * E + s * per_tile
            dbase = s * per_tile
        else:
            gbase = c * (E // NC) + s * per_tile
            dbase = gbase

        pltpu.sync_copy(src_hbm.at[pl.ds(gbase, per_tile)], gall_v)
        pltpu.sync_copy(dst_hbm.at[pl.ds(dbase, per_tile)], dall_v)

        @pl.when(s < NS - 1)
        def _():
            pltpu.sync_copy(g_hbm.at[pl.ds(goff + row0, rpt)],
                            acc_sh.at[pl.ds(row0, rpt)])

        @pl.when(s == NS - 1)
        def _():
            pltpu.sync_copy(g_hbm.at[pl.ds(goff + row0, rpt_last)],
                            acc_sh.at[pl.ds(row0, rpt_last)])

        plsc.subcore_barrier()

        def gstart(k, rows, sem):
            idx = gall_v.at[pl.ds(k * chunk, chunk)]
            pltpu.make_async_copy(g_hbm.at[idx], rows, sem).start()

        def gwait(rows, sem):
            pltpu.make_async_copy(g_hbm.at[pl.ds(0, chunk)], rows, sem).wait()

        def scat(k, rows):
            idx = dall_v.at[pl.ds(k * chunk, chunk)]
            pltpu.sync_copy(rows, acc_sh.at[idx], add=True)

        gstart(0, rows0, sem0)

        @pl.loop(0, (n_chunks - 1) // 2)
        def _(i):
            a = 2 * i
            gstart(a + 1, rows1, sem1)
            gwait(rows0, sem0)
            scat(a, rows0)
            gstart(a + 2, rows0, sem0)
            gwait(rows1, sem1)
            scat(a + 1, rows1)

        gwait(rows0, sem0)
        scat(n_chunks - 1, rows0)

        plsc.subcore_barrier()

        @pl.when(s < NS - 1)
        def _():
            pltpu.sync_copy(acc_sh.at[pl.ds(row0, rpt)],
                            out_hbm.at[pl.ds(c * N + row0, rpt)])

        @pl.when(s == NS - 1)
        def _():
            pltpu.sync_copy(acc_sh.at[pl.ds(row0, rpt_last)],
                            out_hbm.at[pl.ds(c * N + row0, rpt_last)])

    return agg_kernel


def _tc1(xs, xt, W1, d0, d1, blk):
    N, Ds = xs.shape
    H = W1.shape[1]
    Hh = H // 2
    nb = N // blk

    def body(xs_ref, xt_ref, w_ref, d0_ref, d1_ref, g_ref, dinv_ref):
        deg = d0_ref[...] + d1_ref[...] + 1.0
        dinv = lax.rsqrt(deg)
        h = jnp.dot(xs_ref[...], w_ref[:Ds, :], preferred_element_type=jnp.float32)
        h = h + jnp.dot(xt_ref[...], w_ref[Ds:, :], preferred_element_type=jnp.float32)
        g_ref[...] = h * dinv
        dinv_ref[...] = dinv

    return pl.pallas_call(
        body,
        grid=(nb, 2),
        in_specs=[
            pl.BlockSpec((blk, Ds), lambda i, j: (i, 0)),
            pl.BlockSpec((blk, xt.shape[1]), lambda i, j: (i, 0)),
            pl.BlockSpec((W1.shape[0], Hh), lambda i, j: (0, j)),
            pl.BlockSpec((blk, 1), lambda i, j: (i, 0)),
            pl.BlockSpec((blk, 1), lambda i, j: (i, 0)),
        ],
        out_specs=[
            pl.BlockSpec((blk, Hh), lambda i, j: (j * nb + i, 0)),
            pl.BlockSpec((blk, 1), lambda i, j: (i, 0)),
        ],
        out_shape=[
            jax.ShapeDtypeStruct((2 * N, Hh), jnp.float32),
            jax.ShapeDtypeStruct((N, 1), jnp.float32),
        ],
    )(xs, xt, W1, d0, d1)


def _tc2(S1, dinv, b1, W2, N, blk):
    H2, O = W2.shape
    Hh = H2 // 2
    nb = N // blk

    def body(slo_ref, shi_ref, dinv_ref, b_ref, w_ref, g2_ref):
        dv = dinv_ref[...]
        zlo = jnp.maximum(slo_ref[...] * dv + b_ref[:, :Hh], 0.0)
        zhi = jnp.maximum(shi_ref[...] * dv + b_ref[:, Hh:], 0.0)
        h2 = jnp.dot(zlo, w_ref[:Hh, :], preferred_element_type=jnp.float32)
        h2 = h2 + jnp.dot(zhi, w_ref[Hh:, :], preferred_element_type=jnp.float32)
        g2_ref[...] = h2 * dv

    return pl.pallas_call(
        body,
        grid=(nb,),
        in_specs=[
            pl.BlockSpec((blk, Hh), lambda i: (i, 0)),
            pl.BlockSpec((blk, Hh), lambda i: (nb + i, 0)),
            pl.BlockSpec((blk, 1), lambda i: (i, 0)),
            pl.BlockSpec((1, H2), lambda i: (0, 0)),
            pl.BlockSpec((H2, O), lambda i: (0, 0)),
        ],
        out_specs=pl.BlockSpec((blk, O), lambda i: (i, 0)),
        out_shape=jax.ShapeDtypeStruct((N, O), jnp.float32),
    )(S1, S1, dinv, b1, W2)


def _tc3(S2, g2, dinv, b2, N, blk):
    O = b2.shape[1]
    nb = N // blk

    def body(p0_ref, p1_ref, g2_ref, dinv_ref, b_ref, out_ref):
        dv = dinv_ref[...]
        out_ref[...] = (p0_ref[...] + p1_ref[...] - g2_ref[...]) * dv + b_ref[...]

    return pl.pallas_call(
        body,
        grid=(nb,),
        in_specs=[
            pl.BlockSpec((blk, O), lambda i: (i, 0)),
            pl.BlockSpec((blk, O), lambda i: (nb + i, 0)),
            pl.BlockSpec((blk, O), lambda i: (i, 0)),
            pl.BlockSpec((blk, 1), lambda i: (i, 0)),
            pl.BlockSpec((1, O), lambda i: (0, 0)),
        ],
        out_specs=pl.BlockSpec((blk, O), lambda i: (i, 0)),
        out_shape=jax.ShapeDtypeStruct((N, O), jnp.float32),
    )(S2, S2, g2, dinv, b2)


def kernel(structural_x, text_x, edge_index, W1, b1, W2, b2):
    N = structural_x.shape[0]
    E = edge_index.shape[1]
    H = W1.shape[1]
    O = W2.shape[1]
    src = edge_index[0].astype(jnp.int32)
    dst = edge_index[1].astype(jnp.int32)

    NP = ((N + 8 * NS - 1) // (8 * NS)) * (8 * NS)

    degp = _make_deg_kernel(E, NP)(dst, jnp.ones((40,), jnp.float32),
                                   jnp.zeros((NP,), jnp.float32))
    d0 = degp[0:N][:, None]
    d1 = degp[NP:NP + N][:, None]

    blk = 1000
    g1, dinv = _tc1(structural_x, text_x, W1, d0, d1, blk)
    src2 = jnp.concatenate([src, src + N])
    S1 = _make_agg_kernel(N, E, H // 2, feature_split=True)(g1, src2, dst)
    g2 = _tc2(S1, dinv, b1[None, :], W2, N, blk)
    S2 = _make_agg_kernel(N, E, O, feature_split=False)(g2, src, dst)
    return _tc3(S2, g2, dinv, b2[None, :], N, blk)

# --- scband reference (transcript-rebuilt; emitter-appended) ---
"""Pipeline reference for scband-text-augmented-ontology-gnn-55259049230995 (READ-ONLY COPY).

The authoritative reference and input builder live on the scoring server;
editing this copy changes nothing except your own understanding.
"""

import jax, jax.numpy as jnp
import numpy as np

N_NODES = 10000


def gcn_conv(x, edge_index, W, b):
    # PyG GCNConv: linear transform first, then symmetric-normalized propagation
    n = x.shape[0]
    h = x @ W
    src = edge_index[0]
    dst = edge_index[1]
    loop = jnp.arange(n, dtype=src.dtype)
    src = jnp.concatenate([src, loop])
    dst = jnp.concatenate([dst, loop])
    deg = jnp.zeros((n,), dtype=h.dtype).at[dst].add(1.0)
    deg_inv_sqrt = jnp.where(deg > 0, deg ** -0.5, 0.0)
    norm = deg_inv_sqrt[src] * deg_inv_sqrt[dst]
    msg = h[src] * norm[:, None]
    out = jnp.zeros((n, h.shape[1]), dtype=h.dtype).at[dst].add(msg)
    return out + b


def setup_inputs(seed: int = 0) -> dict:
    key = jax.random.key(seed)
    k1, k2, k3, k4, k5 = jax.random.split(key, 5)
    structural_dim, text_dim, hidden_dim, out_dim = 256, 256, 256, 128
    in_dim = structural_dim + text_dim
    structural_x = jax.random.normal(k1, (N_NODES, structural_dim), dtype=jnp.float32)
    text_x = jax.random.normal(k2, (N_NODES, text_dim), dtype=jnp.float32)
    edge_index = jax.random.randint(k3, (2, 160000), 0, N_NODES, dtype=jnp.int64)
    W1 = jax.random.normal(k4, (in_dim, hidden_dim), dtype=jnp.float32) * (1.0 / np.sqrt(in_dim))
    b1 = jnp.zeros((hidden_dim,), dtype=jnp.float32)
    W2 = jax.random.normal(k5, (hidden_dim, out_dim), dtype=jnp.float32) * (1.0 / np.sqrt(hidden_dim))
    b2 = jnp.zeros((out_dim,), dtype=jnp.float32)
    return {"structural_x": structural_x, "text_x": text_x, "edge_index": edge_index,
            "W1": W1, "b1": b1, "W2": W2, "b2": b2}


def reference(structural_x, text_x, edge_index, W1, b1, W2, b2):
    # fusion_method='concat'
    x = jnp.concatenate([structural_x, text_x], axis=1)
    # dropout p=0.0 in eval mode -> identity
    x = gcn_conv(x, edge_index, W1, b1)
    x = jax.nn.relu(x)
    x = gcn_conv(x, edge_index, W2, b2)
    return x

if __name__ == "__main__":
    import jax
    _d = setup_inputs()
    print(jax.jit(kernel)(*tuple(_d.values())))

</pallas_src>

<mosaic_0001>
#map = affine_map<(d0, d1) -> (0, 0)>
#map1 = affine_map<(d0, d1) -> (0)>
module attributes {stable_mosaic.version = 14 : i64} {
  func.func @agg_kernel(%arg0: i32, %arg1: i32, %arg2: memref<10000x128xf32, #tpu.memory_space<hbm>>, %arg3: memref<160000xi32, #tpu.memory_space<hbm>>, %arg4: memref<160000xi32, #tpu.memory_space<hbm>>, %arg5: memref<20000x128xf32, #tpu.memory_space<hbm>>, %arg6: memref<10000x128xf32, #tpu.memory_space<vmem_shared>>, %arg7: memref<5000xi32, #tpu.memory_space<vmem>>, %arg8: memref<5000xi32, #tpu.memory_space<vmem>>, %arg9: memref<40x128xf32, #tpu.memory_space<vmem>>, %arg10: memref<40x128xf32, #tpu.memory_space<vmem>>, %arg11: memref<!tpu.dma_semaphore, #tpu.memory_space<semaphore_mem>>, %arg12: memref<!tpu.dma_semaphore, #tpu.memory_space<semaphore_mem>>) attributes {dimension_semantics = [#tpu.dimension_semantics<core_parallel>, #tpu.dimension_semantics<subcore_parallel>], iteration_bounds = array<i64: 2, 16>, scalar_prefetch = 0 : i64, scratch_operands = 7 : i64, tpu.core_type = #tpu.core_type<sc_vector_subcore>, window_params = [{transform_indices = #map}, {transform_indices = #map1}, {transform_indices = #map1}, {transform_indices = #map}]} {
    %mul3A = arith.constant 632 : i32
    %mul3A_0 = arith.muli %arg1, %mul3A : i32
    %mul3A_1 = arith.constant 80000 : i32
    %mul3A_2 = arith.muli %arg0, %mul3A_1 : i32
    %mul3A_3 = arith.constant 5000 : i32
    %mul3A_4 = arith.muli %arg1, %mul3A_3 : i32
    %add3A = arith.addi %mul3A_2, %mul3A_4 : i32
    "tpu.region"() ({
      %run_scoped3A = tpu.sem_alloc : memref<!tpu.dma_semaphore, #tpu.memory_space<semaphore_mem>>
      %dma_start3A_35 = tpu.memref_slice %arg3[%add3A] : memref<160000xi32, #tpu.memory_space<hbm>> -> memref<5000xi32, #tpu.memory_space<hbm>>
      %dma_start3A_36 = tpu.memref_slice %arg3[%add3A] : memref<160000xi32, #tpu.memory_space<hbm>> -> memref<5000xi32, #tpu.memory_space<hbm>>
      tpu.enqueue_dma source(%dma_start3A_36 : memref<5000xi32, #tpu.memory_space<hbm>>) target(%arg7 : memref<5000xi32, #tpu.memory_space<vmem>>) target_semaphore(%run_scoped3A : memref<!tpu.dma_semaphore, #tpu.memory_space<semaphore_mem>>)
      %dma_wait3A_37 = tpu.memref_slice %arg3[%add3A] : memref<160000xi32, #tpu.memory_space<hbm>> -> memref<5000xi32, #tpu.memory_space<hbm>>
      %dma_wait3A_38 = tpu.memref_slice %arg3[%add3A] : memref<160000xi32, #tpu.memory_space<hbm>> -> memref<5000xi32, #tpu.memory_space<hbm>>
      tpu.wait_dma2 semaphore(%run_scoped3A : memref<!tpu.dma_semaphore, #tpu.memory_space<semaphore_mem>>) src(%dma_wait3A_38 : memref<5000xi32, #tpu.memory_space<hbm>>) dst(%arg7 : memref<5000xi32, #tpu.memory_space<vmem>>)
      tpu.yield
    }) : () -> ()
    "tpu.region"() ({
      %run_scoped3A = tpu.sem_alloc : memref<!tpu.dma_semaphore, #tpu.memory_space<semaphore_mem>>
      %dma_start3A_35 = tpu.memref_slice %arg4[%add3A] : memref<160000xi32, #tpu.memory_space<hbm>> -> memref<5000xi32, #tpu.memory_space<hbm>>
      %dma_start3A_36 = tpu.memref_slice %arg4[%add3A] : memref<160000xi32, #tpu.memory_space<hbm>> -> memref<5000xi32, #tpu.memory_space<hbm>>
      tpu.enqueue_dma source(%dma_start3A_36 : memref<5000xi32, #tpu.memory_space<hbm>>) target(%arg8 : memref<5000xi32, #tpu.memory_space<vmem>>) target_semaphore(%run_scoped3A : memref<!tpu.dma_semaphore, #tpu.memory_space<semaphore_mem>>)
      %dma_wait3A_37 = tpu.memref_slice %arg4[%add3A] : memref<160000xi32, #tpu.memory_space<hbm>> -> memref<5000xi32, #tpu.memory_space<hbm>>
      %dma_wait3A_38 = tpu.memref_slice %arg4[%add3A] : memref<160000xi32, #tpu.memory_space<hbm>> -> memref<5000xi32, #tpu.memory_space<hbm>>
      tpu.wait_dma2 semaphore(%run_scoped3A : memref<!tpu.dma_semaphore, #tpu.memory_space<semaphore_mem>>) src(%dma_wait3A_38 : memref<5000xi32, #tpu.memory_space<hbm>>) dst(%arg8 : memref<5000xi32, #tpu.memory_space<vmem>>)
      tpu.yield
    }) : () -> ()
    %lt3A = arith.constant 15 : i32
    %lt3A_5 = arith.cmpi slt, %arg1, %lt3A : i32
    %convert_element_type3A = arith.extui %lt3A_5 : i1 to i32
    %cond3A = arith.constant 0 : i32
    %cond3A_6 = arith.cmpi ne, %convert_element_type3A, %cond3A : i32
    scf.if %cond3A_6 {
      %add3A_35 = arith.constant 0 : i32
      %add3A_36 = arith.addi %add3A_35, %mul3A_0 : i32
      "tpu.region"() ({
        %run_scoped3A = tpu.sem_alloc : memref<!tpu.dma_semaphore, #tpu.memory_space<semaphore_mem>>
        %dma_start3A_37 = arith.constant 0 : i32
        %dma_start3A_38 = tpu.memref_slice %arg6[%mul3A_0, %dma_start3A_37] : memref<10000x128xf32, #tpu.memory_space<vmem_shared>> -> memref<632x128xf32, #tpu.memory_space<vmem_shared>>
        %dma_start3A_39 = arith.constant 0 : i32
        %dma_start3A_40 = tpu.memref_slice %arg2[%add3A_36, %dma_start3A_39] : memref<10000x128xf32, #tpu.memory_space<hbm>> -> memref<632x128xf32, #tpu.memory_space<hbm>>
        tpu.enqueue_dma source(%dma_start3A_40 : memref<632x128xf32, #tpu.memory_space<hbm>>) target(%dma_start3A_38 : memref<632x128xf32, #tpu.memory_space<vmem_shared>>) target_semaphore(%run_scoped3A : memref<!tpu.dma_semaphore, #tpu.memory_space<semaphore_mem>>)
        %dma_wait3A_41 = arith.constant 0 : i32
        %dma_wait3A_42 = tpu.memref_slice %arg6[%mul3A_0, %dma_wait3A_41] : memref<10000x128xf32, #tpu.memory_space<vmem_shared>> -> memref<632x128xf32, #tpu.memory_space<vmem_shared>>
        %dma_wait3A_43 = arith.constant 0 : i32
        %dma_wait3A_44 = tpu.memref_slice %arg2[%add3A_36, %dma_wait3A_43] : memref<10000x128xf32, #tpu.memory_space<hbm>> -> memref<632x128xf32, #tpu.memory_space<hbm>>
        tpu.wait_dma2 semaphore(%run_scoped3A : memref<!tpu.dma_semaphore, #tpu.memory_space<semaphore_mem>>) src(%dma_wait3A_44 : memref<632x128xf32, #tpu.memory_space<hbm>>) dst(%dma_wait3A_42 : memref<632x128xf32, #tpu.memory_space<vmem_shared>>)
        tpu.yield
      }) : () -> ()
    } else {
    }
    %eq3A = arith.constant 15 : i32
    %eq3A_7 = arith.cmpi eq, %arg1, %eq3A : i32
    %convert_element_type3A_8 = arith.extui %eq3A_7 : i1 to i32
    %cond3A_9 = arith.constant 0 : i32
    %cond3A_10 = arith.cmpi ne, %convert_element_type3A_8, %cond3A_9 : i32
    scf.if %cond3A_10 {
      %add3A_35 = arith.constant 0 : i32
      %add3A_36 = arith.addi %add3A_35, %mul3A_0 : i32
      "tpu.region"() ({
        %run_scoped3A = tpu.sem_alloc : memref<!tpu.dma_semaphore, #tpu.memory_space<semaphore_mem>>
        %dma_start3A_37 = arith.constant 0 : i32
        %dma_start3A_38 = tpu.memref_slice %arg6[%mul3A_0, %dma_start3A_37] : memref<10000x128xf32, #tpu.memory_space<vmem_shared>> -> memref<520x128xf32, #tpu.memory_space<vmem_shared>>
        %dma_start3A_39 = arith.constant 0 : i32
        %dma_start3A_40 = tpu.memref_slice %arg2[%add3A_36, %dma_start3A_39] : memref<10000x128xf32, #tpu.memory_space<hbm>> -> memref<520x128xf32, #tpu.memory_space<hbm>>
        tpu.enqueue_dma source(%dma_start3A_40 : memref<520x128xf32, #tpu.memory_space<hbm>>) target(%dma_start3A_38 : memref<520x128xf32, #tpu.memory_space<vmem_shared>>) target_semaphore(%run_scoped3A : memref<!tpu.dma_semaphore, #tpu.memory_space<semaphore_mem>>)
        %dma_wait3A_41 = arith.constant 0 : i32
        %dma_wait3A_42 = tpu.memref_slice %arg6[%mul3A_0, %dma_wait3A_41] : memref<10000x128xf32, #tpu.memory_space<vmem_shared>> -> memref<520x128xf32, #tpu.memory_space<vmem_shared>>
        %dma_wait3A_43 = arith.constant 0 : i32
        %dma_wait3A_44 = tpu.memref_slice %arg2[%add3A_36, %dma_wait3A_43] : memref<10000x128xf32, #tpu.memory_space<hbm>> -> memref<520x128xf32, #tpu.memory_space<hbm>>
        tpu.wait_dma2 semaphore(%run_scoped3A : memref<!tpu.dma_semaphore, #tpu.memory_space<semaphore_mem>>) src(%dma_wait3A_44 : memref<520x128xf32, #tpu.memory_space<hbm>>) dst(%dma_wait3A_42 : memref<520x128xf32, #tpu.memory_space<vmem_shared>>)
        tpu.yield
      }) : () -> ()
    } else {
    }
    %barrier3A = arith.constant 0 : index
    tpu.barrier barrier_id(%barrier3A)
    %dma_start3A = arith.constant 0 : i32
    %dma_start3A_11 = tpu.memref_slice %arg7[%dma_start3A] : memref<5000xi32, #tpu.memory_space<vmem>> -> memref<40xi32, #tpu.memory_space<vmem>>
    %dma_start3A_12 = arith.constant 0 : i32
    %dma_start3A_13 = arith.constant 0 : i32
    %dma_start3A_14 = tpu.memref_slice %arg2[%dma_start3A_12, %dma_start3A_13] : memref<10000x128xf32, #tpu.memory_space<hbm>> -> memref<10000x128xf32, #tpu.memory_space<hbm>>
    tpu.enqueue_indirect_dma source(%dma_start3A_14 : memref<10000x128xf32, #tpu.memory_space<hbm>>) target(%arg9 : memref<40x128xf32, #tpu.memory_space<vmem>>) offsets(%dma_start3A_11 : memref<40xi32, #tpu.memory_space<vmem>>) semaphore(%arg11 : memref<!tpu.dma_semaphore, #tpu.memory_space<semaphore_mem>>)
    %scan3A = arith.constant 0 : i32
    %scan3A_15 = arith.constant 62 : i32
    %scan3A_16 = arith.addi %scan3A, %scan3A_15 : i32
    %scan3A_17 = arith.constant 1 : i32
    scf.for %scan3A_35 = %scan3A to %scan3A_16 step %scan3A_17  : i32 {
      %mul3A_36 = arith.constant 1 : i32
      %mul3A_37 = arith.muli %scan3A_35, %mul3A_36 : i32
      %add3A_38 = arith.constant 0 : i32
      %add3A_39 = arith.addi %add3A_38, %mul3A_37 : i32
      %mul3A_40 = arith.constant 2 : i32
      %mul3A_41 = arith.muli %mul3A_40, %add3A_39 : i32
      %add3A_42 = arith.constant 1 : i32
      %add3A_43 = arith.addi %mul3A_41, %add3A_42 : i32
      %mul3A_44 = arith.constant 40 : i32
      %mul3A_45 = arith.muli %add3A_43, %mul3A_44 : i32
      %dma_start3A_46 = tpu.memref_slice %arg7[%mul3A_45] : memref<5000xi32, #tpu.memory_space<vmem>> -> memref<40xi32, #tpu.memory_space<vmem>>
      %dma_start3A_47 = arith.constant 0 : i32
      %dma_start3A_48 = arith.constant 0 : i32
      %dma_start3A_49 = tpu.memref_slice %arg2[%dma_start3A_47, %dma_start3A_48] : memref<10000x128xf32, #tpu.memory_space<hbm>> -> memref<10000x128xf32, #tpu.memory_space<hbm>>
      tpu.enqueue_indirect_dma source(%dma_start3A_49 : memref<10000x128xf32, #tpu.memory_space<hbm>>) target(%arg10 : memref<40x128xf32, #tpu.memory_space<vmem>>) offsets(%dma_start3A_46 : memref<40xi32, #tpu.memory_space<vmem>>) semaphore(%arg12 : memref<!tpu.dma_semaphore, #tpu.memory_space<semaphore_mem>>)
      %dma_wait3A_50 = arith.constant 0 : i32
      %dma_wait3A_51 = arith.constant 0 : i32
      %dma_wait3A_52 = tpu.memref_slice %arg2[%dma_wait3A_50, %dma_wait3A_51] : memref<10000x128xf32, #tpu.memory_space<hbm>> -> memref<40x128xf32, #tpu.memory_space<hbm>>
      %dma_wait3A_53 = arith.constant 0 : i32
      %dma_wait3A_54 = arith.constant 0 : i32
      %dma_wait3A_55 = tpu.memref_slice %arg2[%dma_wait3A_53, %dma_wait3A_54] : memref<10000x128xf32, #tpu.memory_space<hbm>> -> memref<40x128xf32, #tpu.memory_space<hbm>>
      tpu.wait_dma2 semaphore(%arg11 : memref<!tpu.dma_semaphore, #tpu.memory_space<semaphore_mem>>) src(%dma_wait3A_55 : memref<40x128xf32, #tpu.memory_space<hbm>>) dst(%arg9 : memref<40x128xf32, #tpu.memory_space<vmem>>)
      %mul3A_56 = arith.constant 40 : i32
      %mul3A_57 = arith.muli %mul3A_41, %mul3A_56 : i32
      "tpu.region"() ({
        %run_scoped3A = tpu.sem_alloc : memref<!tpu.dma_semaphore, #tpu.memory_space<semaphore_mem>>
        %dma_start3A_76 = tpu.memref_slice %arg8[%mul3A_57] : memref<5000xi32, #tpu.memory_space<vmem>> -> memref<40xi32, #tpu.memory_space<vmem>>
        %dma_start3A_77 = arith.constant 0 : i32
        %dma_start3A_78 = arith.constant 0 : i32
        %dma_start3A_79 = tpu.memref_slice %arg6[%dma_start3A_77, %dma_start3A_78] : memref<10000x128xf32, #tpu.memory_space<vmem_shared>> -> memref<10000x128xf32, #tpu.memory_space<vmem_shared>>
        tpu.enqueue_indirect_dma source(%arg9 : memref<40x128xf32, #tpu.memory_space<vmem>>) target(%dma_start3A_79 : memref<10000x128xf32, #tpu.memory_space<vmem_shared>>) offsets(%dma_start3A_76 : memref<40xi32, #tpu.memory_space<vmem>>) semaphore(%run_scoped3A : memref<!tpu.dma_semaphore, #tpu.memory_space<semaphore_mem>>) {add = true}
        %dma_wait3A_80 = tpu.memref_slice %arg8[%mul3A_57] : memref<5000xi32, #tpu.memory_space<vmem>> -> memref<40xi32, #tpu.memory_space<vmem>>
        %dma_wait3A_81 = arith.constant 0 : i32
        %dma_wait3A_82 = arith.constant 0 : i32
        %dma_wait3A_83 = tpu.memref_slice %arg6[%dma_wait3A_81, %dma_wait3A_82] : memref<10000x128xf32, #tpu.memory_space<vmem_shared>> -> memref<10000x128xf32, #tpu.memory_space<vmem_shared>>
        tpu.wait_indirect_dma semaphore(%run_scoped3A : memref<!tpu.dma_semaphore, #tpu.memory_space<semaphore_mem>>) src(%arg9 : memref<40x128xf32, #tpu.memory_space<vmem>>) dst(%dma_wait3A_83 : memref<10000x128xf32, #tpu.memory_space<vmem_shared>>)
        tpu.yield
      }) : () -> ()
      %add3A_58 = arith.constant 2 : i32
      %add3A_59 = arith.addi %mul3A_41, %add3A_58 : i32
      %mul3A_60 = arith.constant 40 : i32
      %mul3A_61 = arith.muli %add3A_59, %mul3A_60 : i32
      %dma_start3A_62 = tpu.memref_slice %arg7[%mul3A_61] : memref<5000xi32, #tpu.memory_space<vmem>> -> memref<40xi32, #tpu.memory_space<vmem>>
      %dma_start3A_63 = arith.constant 0 : i32
      %dma_start3A_64 = arith.constant 0 : i32
      %dma_start3A_65 = tpu.memref_slice %arg2[%dma_start3A_63, %dma_start3A_64] : memref<10000x128xf32, #tpu.memory_space<hbm>> -> memref<10000x128xf32, #tpu.memory_space<hbm>>
      tpu.enqueue_indirect_dma source(%dma_start3A_65 : memref<10000x128xf32, #tpu.memory_space<hbm>>) target(%arg9 : memref<40x128xf32, #tpu.memory_space<vmem>>) offsets(%dma_start3A_62 : memref<40xi32, #tpu.memory_space<vmem>>) semaphore(%arg11 : memref<!tpu.dma_semaphore, #tpu.memory_space<semaphore_mem>>)
      %dma_wait3A_66 = arith.constant 0 : i32
      %dma_wait3A_67 = arith.constant 0 : i32
      %dma_wait3A_68 = tpu.memref_slice %arg2[%dma_wait3A_66, %dma_wait3A_67] : memref<10000x128xf32, #tpu.memory_space<hbm>> -> memref<40x128xf32, #tpu.memory_space<hbm>>
      %dma_wait3A_69 = arith.constant 0 : i32
      %dma_wait3A_70 = arith.constant 0 : i32
      %dma_wait3A_71 = tpu.memref_slice %arg2[%dma_wait3A_69, %dma_wait3A_70] : memref<10000x128xf32, #tpu.memory_space<hbm>> -> memref<40x128xf32, #tpu.memory_space<hbm>>
      tpu.wait_dma2 semaphore(%arg12 : memref<!tpu.dma_semaphore, #tpu.memory_space<semaphore_mem>>) src(%dma_wait3A_71 : memref<40x128xf32, #tpu.memory_space<hbm>>) dst(%arg10 : memref<40x128xf32, #tpu.memory_space<vmem>>)
      %add3A_72 = arith.constant 1 : i32
      %add3A_73 = arith.addi %mul3A_41, %add3A_72 : i32
      %mul3A_74 = arith.constant 40 : i32
      %mul3A_75 = arith.muli %add3A_73, %mul3A_74 : i32
      "tpu.region"() ({
        %run_scoped3A = tpu.sem_alloc : memref<!tpu.dma_semaphore, #tpu.memory_space<semaphore_mem>>
        %dma_start3A_76 = tpu.memref_slice %arg8[%mul3A_75] : memref<5000xi32, #tpu.memory_space<vmem>> -> memref<40xi32, #tpu.memory_space<vmem>>
        %dma_start3A_77 = arith.constant 0 : i32
        %dma_start3A_78 = arith.constant 0 : i32
        %dma_start3A_79 = tpu.memref_slice %arg6[%dma_start3A_77, %dma_start3A_78] : memref<10000x128xf32, #tpu.memory_space<vmem_shared>> -> memref<10000x128xf32, #tpu.memory_space<vmem_shared>>
        tpu.enqueue_indirect_dma source(%arg10 : memref<40x128xf32, #tpu.memory_space<vmem>>) target(%dma_start3A_79 : memref<10000x128xf32, #tpu.memory_space<vmem_shared>>) offsets(%dma_start3A_76 : memref<40xi32, #tpu.memory_space<vmem>>) semaphore(%run_scoped3A : memref<!tpu.dma_semaphore, #tpu.memory_space<semaphore_mem>>) {add = true}
        %dma_wait3A_80 = tpu.memref_slice %arg8[%mul3A_75] : memref<5000xi32, #tpu.memory_space<vmem>> -> memref<40xi32, #tpu.memory_space<vmem>>
        %dma_wait3A_81 = arith.constant 0 : i32
        %dma_wait3A_82 = arith.constant 0 : i32
        %dma_wait3A_83 = tpu.memref_slice %arg6[%dma_wait3A_81, %dma_wait3A_82] : memref<10000x128xf32, #tpu.memory_space<vmem_shared>> -> memref<10000x128xf32, #tpu.memory_space<vmem_shared>>
        tpu.wait_indirect_dma semaphore(%run_scoped3A : memref<!tpu.dma_semaphore, #tpu.memory_space<semaphore_mem>>) src(%arg10 : memref<40x128xf32, #tpu.memory_space<vmem>>) dst(%dma_wait3A_83 : memref<10000x128xf32, #tpu.memory_space<vmem_shared>>)
        tpu.yield
      }) : () -> ()
    }
    %scan3A_18 = arith.constant 62 : i32
    %dma_wait3A = arith.constant 0 : i32
    %dma_wait3A_19 = arith.constant 0 : i32
    %dma_wait3A_20 = tpu.memref_slice %arg2[%dma_wait3A, %dma_wait3A_19] : memref<10000x128xf32, #tpu.memory_space<hbm>> -> memref<40x128xf32, #tpu.memory_space<hbm>>
    %dma_wait3A_21 = arith.constant 0 : i32
    %dma_wait3A_22 = arith.constant 0 : i32
    %dma_wait3A_23 = tpu.memref_slice %arg2[%dma_wait3A_21, %dma_wait3A_22] : memref<10000x128xf32, #tpu.memory_space<hbm>> -> memref<40x128xf32, #tpu.memory_space<hbm>>
    tpu.wait_dma2 semaphore(%arg11 : memref<!tpu.dma_semaphore, #tpu.memory_space<semaphore_mem>>) src(%dma_wait3A_23 : memref<40x128xf32, #tpu.memory_space<hbm>>) dst(%arg9 : memref<40x128xf32, #tpu.memory_space<vmem>>)
    "tpu.region"() ({
      %run_scoped3A = tpu.sem_alloc : memref<!tpu.dma_semaphore, #tpu.memory_space<semaphore_mem>>
      %dma_start3A_35 = arith.constant 4960 : i32
      %dma_start3A_36 = tpu.memref_slice %arg8[%dma_start3A_35] : memref<5000xi32, #tpu.memory_space<vmem>> -> memref<40xi32, #tpu.memory_space<vmem>>
      %dma_start3A_37 = arith.constant 0 : i32
      %dma_start3A_38 = arith.constant 0 : i32
      %dma_start3A_39 = tpu.memref_slice %arg6[%dma_start3A_37, %dma_start3A_38] : memref<10000x128xf32, #tpu.memory_space<vmem_shared>> -> memref<10000x128xf32, #tpu.memory_space<vmem_shared>>
      tpu.enqueue_indirect_dma source(%arg9 : memref<40x128xf32, #tpu.memory_space<vmem>>) target(%dma_start3A_39 : memref<10000x128xf32, #tpu.memory_space<vmem_shared>>) offsets(%dma_start3A_36 : memref<40xi32, #tpu.memory_space<vmem>>) semaphore(%run_scoped3A : memref<!tpu.dma_semaphore, #tpu.memory_space<semaphore_mem>>) {add = true}
      %dma_wait3A_40 = arith.constant 4960 : i32
      %dma_wait3A_41 = tpu.memref_slice %arg8[%dma_wait3A_40] : memref<5000xi32, #tpu.memory_space<vmem>> -> memref<40xi32, #tpu.memory_space<vmem>>
      %dma_wait3A_42 = arith.constant 0 : i32
      %dma_wait3A_43 = arith.constant 0 : i32
      %dma_wait3A_44 = tpu.memref_slice %arg6[%dma_wait3A_42, %dma_wait3A_43] : memref<10000x128xf32, #tpu.memory_space<vmem_shared>> -> memref<10000x128xf32, #tpu.memory_space<vmem_shared>>
      tpu.wait_indirect_dma semaphore(%run_scoped3A : memref<!tpu.dma_semaphore, #tpu.memory_space<semaphore_mem>>) src(%arg9 : memref<40x128xf32, #tpu.memory_space<vmem>>) dst(%dma_wait3A_44 : memref<10000x128xf32, #tpu.memory_space<vmem_shared>>)
      tpu.yield
    }) : () -> ()
    %barrier3A_24 = arith.constant 0 : index
    tpu.barrier barrier_id(%barrier3A_24)
    %lt3A_25 = arith.constant 15 : i32
    %lt3A_26 = arith.cmpi slt, %arg1, %lt3A_25 : i32
    %convert_element_type3A_27 = arith.extui %lt3A_26 : i1 to i32
    %cond3A_28 = arith.constant 0 : i32
    %cond3A_29 = arith.cmpi ne, %convert_element_type3A_27, %cond3A_28 : i32
    scf.if %cond3A_29 {
      %mul3A_35 = arith.constant 10000 : i32
      %mul3A_36 = arith.muli %arg0, %mul3A_35 : i32
      %add3A_37 = arith.addi %mul3A_36, %mul3A_0 : i32
      "tpu.region"() ({
        %run_scoped3A = tpu.sem_alloc : memref<!tpu.dma_semaphore, #tpu.memory_space<semaphore_mem>>
        %dma_start3A_38 = arith.constant 0 : i32
        %dma_start3A_39 = tpu.memref_slice %arg5[%add3A_37, %dma_start3A_38] : memref<20000x128xf32, #tpu.memory_space<hbm>> -> memref<632x128xf32, #tpu.memory_space<hbm>>
        %dma_start3A_40 = arith.constant 0 : i32
        %dma_start3A_41 = tpu.memref_slice %arg6[%mul3A_0, %dma_start3A_40] : memref<10000x128xf32, #tpu.memory_space<vmem_shared>> -> memref<632x128xf32, #tpu.memory_space<vmem_shared>>
        tpu.enqueue_dma source(%dma_start3A_41 : memref<632x128xf32, #tpu.memory_space<vmem_shared>>) target(%dma_start3A_39 : memref<632x128xf32, #tpu.memory_space<hbm>>) target_semaphore(%run_scoped3A : memref<!tpu.dma_semaphore, #tpu.memory_space<semaphore_mem>>)
        %dma_wait3A_42 = arith.constant 0 : i32
        %dma_wait3A_43 = tpu.memref_slice %arg5[%add3A_37, %dma_wait3A_42] : memref<20000x128xf32, #tpu.memory_space<hbm>> -> memref<632x128xf32, #tpu.memory_space<hbm>>
        %dma_wait3A_44 = arith.constant 0 : i32
        %dma_wait3A_45 = tpu.memref_slice %arg6[%mul3A_0, %dma_wait3A_44] : memref<10000x128xf32, #tpu.memory_space<vmem_shared>> -> memref<632x128xf32, #tpu.memory_space<vmem_shared>>
        tpu.wait_dma2 semaphore(%run_scoped3A : memref<!tpu.dma_semaphore, #tpu.memory_space<semaphore_mem>>) src(%dma_wait3A_45 : memref<632x128xf32, #tpu.memory_space<vmem_shared>>) dst(%dma_wait3A_43 : memref<632x128xf32, #tpu.memory_space<hbm>>)
        tpu.yield
      }) : () -> ()
    } else {
    }
    %eq3A_30 = arith.constant 15 : i32
    %eq3A_31 = arith.cmpi eq, %arg1, %eq3A_30 : i32
    %convert_element_type3A_32 = arith.extui %eq3A_31 : i1 to i32
    %cond3A_33 = arith.constant 0 : i32
    %cond3A_34 = arith.cmpi ne, %convert_element_type3A_32, %cond3A_33 : i32
    scf.if %cond3A_34 {
      %mul3A_35 = arith.constant 10000 : i32
      %mul3A_36 = arith.muli %arg0, %mul3A_35 : i32
      %add3A_37 = arith.addi %mul3A_36, %mul3A_0 : i32
      "tpu.region"() ({
        %run_scoped3A = tpu.sem_alloc : memref<!tpu.dma_semaphore, #tpu.memory_space<semaphore_mem>>
        %dma_start3A_38 = arith.constant 0 : i32
        %dma_start3A_39 = tpu.memref_slice %arg5[%add3A_37, %dma_start3A_38] : memref<20000x128xf32, #tpu.memory_space<hbm>> -> memref<520x128xf32, #tpu.memory_space<hbm>>
        %dma_start3A_40 = arith.constant 0 : i32
        %dma_start3A_41 = tpu.memref_slice %arg6[%mul3A_0, %dma_start3A_40] : memref<10000x128xf32, #tpu.memory_space<vmem_shared>> -> memref<520x128xf32, #tpu.memory_space<vmem_shared>>
        tpu.enqueue_dma source(%dma_start3A_41 : memref<520x128xf32, #tpu.memory_space<vmem_shared>>) target(%dma_start3A_39 : memref<520x128xf32, #tpu.memory_space<hbm>>) target_semaphore(%run_scoped3A : memref<!tpu.dma_semaphore, #tpu.memory_space<semaphore_mem>>)
        %dma_wait3A_42 = arith.constant 0 : i32
        %dma_wait3A_43 = tpu.memref_slice %arg5[%add3A_37, %dma_wait3A_42] : memref<20000x128xf32, #tpu.memory_space<hbm>> -> memref<520x128xf32, #tpu.memory_space<hbm>>
        %dma_wait3A_44 = arith.constant 0 : i32
        %dma_wait3A_45 = tpu.memref_slice %arg6[%mul3A_0, %dma_wait3A_44] : memref<10000x128xf32, #tpu.memory_space<vmem_shared>> -> memref<520x128xf32, #tpu.memory_space<vmem_shared>>
        tpu.wait_dma2 semaphore(%run_scoped3A : memref<!tpu.dma_semaphore, #tpu.memory_space<semaphore_mem>>) src(%dma_wait3A_45 : memref<520x128xf32, #tpu.memory_space<vmem_shared>>) dst(%dma_wait3A_43 : memref<520x128xf32, #tpu.memory_space<hbm>>)
        tpu.yield
      }) : () -> ()
    } else {
    }
    return
  }
}

#map = affine_map<(d0, d1) -> (0)>
module attributes {stable_mosaic.version = 14 : i64} {
  func.func @deg_kernel(%arg0: i32, %arg1: i32, %arg2: memref<160000xi32, #tpu.memory_space<hbm>>, %arg3: memref<40xf32, #tpu.memory_space<hbm>>, %arg4: memref<10112xf32, #tpu.memory_space<hbm>>, %arg5: memref<20224xf32, #tpu.memory_space<hbm>>, %arg6: memref<10112xf32, #tpu.memory_space<vmem_shared>>, %arg7: memref<40xi32, #tpu.memory_space<vmem>>, %arg8: memref<40xf32, #tpu.memory_space<vmem>>, %arg9: memref<632xf32, #tpu.memory_space<vmem>>) attributes {dimension_semantics = [#tpu.dimension_semantics<core_parallel>, #tpu.dimension_semantics<subcore_parallel>], iteration_bounds = array<i64: 2, 16>, scalar_prefetch = 0 : i64, scratch_operands = 4 : i64, tpu.core_type = #tpu.core_type<sc_vector_subcore>, window_params = [{transform_indices = #map}, {transform_indices = #map}, {transform_indices = #map}, {transform_indices = #map}]} {
    "tpu.region"() ({
      %run_scoped3A = tpu.sem_alloc : memref<!tpu.dma_semaphore, #tpu.memory_space<semaphore_mem>>
      tpu.enqueue_dma source(%arg3 : memref<40xf32, #tpu.memory_space<hbm>>) target(%arg8 : memref<40xf32, #tpu.memory_space<vmem>>) target_semaphore(%run_scoped3A : memref<!tpu.dma_semaphore, #tpu.memory_space<semaphore_mem>>)
      tpu.wait_dma2 semaphore(%run_scoped3A : memref<!tpu.dma_semaphore, #tpu.memory_space<semaphore_mem>>) src(%arg3 : memref<40xf32, #tpu.memory_space<hbm>>) dst(%arg8 : memref<40xf32, #tpu.memory_space<vmem>>)
      tpu.yield
    }) : () -> ()
    %mul3A = arith.constant 632 : i32
    %mul3A_0 = arith.muli %arg1, %mul3A : i32
    "tpu.region"() ({
      %run_scoped3A = tpu.sem_alloc : memref<!tpu.dma_semaphore, #tpu.memory_space<semaphore_mem>>
      %dma_start3A = tpu.memref_slice %arg4[%mul3A_0] : memref<10112xf32, #tpu.memory_space<hbm>> -> memref<632xf32, #tpu.memory_space<hbm>>
      %dma_start3A_19 = tpu.memref_slice %arg4[%mul3A_0] : memref<10112xf32, #tpu.memory_space<hbm>> -> memref<632xf32, #tpu.memory_space<hbm>>
      tpu.enqueue_dma source(%dma_start3A_19 : memref<632xf32, #tpu.memory_space<hbm>>) target(%arg9 : memref<632xf32, #tpu.memory_space<vmem>>) target_semaphore(%run_scoped3A : memref<!tpu.dma_semaphore, #tpu.memory_space<semaphore_mem>>)
      %dma_wait3A = tpu.memref_slice %arg4[%mul3A_0] : memref<10112xf32, #tpu.memory_space<hbm>> -> memref<632xf32, #tpu.memory_space<hbm>>
      %dma_wait3A_20 = tpu.memref_slice %arg4[%mul3A_0] : memref<10112xf32, #tpu.memory_space<hbm>> -> memref<632xf32, #tpu.memory_space<hbm>>
      tpu.wait_dma2 semaphore(%run_scoped3A : memref<!tpu.dma_semaphore, #tpu.memory_space<semaphore_mem>>) src(%dma_wait3A_20 : memref<632xf32, #tpu.memory_space<hbm>>) dst(%arg9 : memref<632xf32, #tpu.memory_space<vmem>>)
      tpu.yield
    }) : () -> ()
    %mul3A_1 = arith.constant 632 : i32
    %mul3A_2 = arith.muli %arg1, %mul3A_1 : i32
    "tpu.region"() ({
      %run_scoped3A = tpu.sem_alloc : memref<!tpu.dma_semaphore, #tpu.memory_space<semaphore_mem>>
      %dma_start3A = tpu.memref_slice %arg6[%mul3A_2] : memref<10112xf32, #tpu.memory_space<vmem_shared>> -> memref<632xf32, #tpu.memory_space<vmem_shared>>
      %dma_start3A_19 = tpu.memref_slice %arg6[%mul3A_2] : memref<10112xf32, #tpu.memory_space<vmem_shared>> -> memref<632xf32, #tpu.memory_space<vmem_shared>>
      tpu.enqueue_dma source(%arg9 : memref<632xf32, #tpu.memory_space<vmem>>) target(%dma_start3A_19 : memref<632xf32, #tpu.memory_space<vmem_shared>>) target_semaphore(%run_scoped3A : memref<!tpu.dma_semaphore, #tpu.memory_space<semaphore_mem>>)
      %dma_wait3A = tpu.memref_slice %arg6[%mul3A_2] : memref<10112xf32, #tpu.memory_space<vmem_shared>> -> memref<632xf32, #tpu.memory_space<vmem_shared>>
      %dma_wait3A_20 = tpu.memref_slice %arg6[%mul3A_2] : memref<10112xf32, #tpu.memory_space<vmem_shared>> -> memref<632xf32, #tpu.memory_space<vmem_shared>>
      tpu.wait_dma2 semaphore(%run_scoped3A : memref<!tpu.dma_semaphore, #tpu.memory_space<semaphore_mem>>) src(%arg9 : memref<632xf32, #tpu.memory_space<vmem>>) dst(%dma_wait3A_20 : memref<632xf32, #tpu.memory_space<vmem_shared>>)
      tpu.yield
    }) : () -> ()
    %barrier3A = arith.constant 0 : index
    tpu.barrier barrier_id(%barrier3A)
    %mul3A_3 = arith.constant 80000 : i32
    %mul3A_4 = arith.muli %arg0, %mul3A_3 : i32
    %mul3A_5 = arith.constant 5000 : i32
    %mul3A_6 = arith.muli %arg1, %mul3A_5 : i32
    %add3A = arith.addi %mul3A_4, %mul3A_6 : i32
    %scan3A = arith.constant 0 : i32
    %scan3A_7 = arith.constant 125 : i32
    %scan3A_8 = arith.addi %scan3A, %scan3A_7 : i32
    %scan3A_9 = arith.constant 1 : i32
    scf.for %scan3A_19 = %scan3A to %scan3A_8 step %scan3A_9  : i32 {
      %mul3A_20 = arith.constant 1 : i32
      %mul3A_21 = arith.muli %scan3A_19, %mul3A_20 : i32
      %add3A_22 = arith.constant 0 : i32
      %add3A_23 = arith.addi %add3A_22, %mul3A_21 : i32
      %mul3A_24 = arith.constant 40 : i32
      %mul3A_25 = arith.muli %add3A_23, %mul3A_24 : i32
      %add3A_26 = arith.addi %add3A, %mul3A_25 : i32
      "tpu.region"() ({
        %run_scoped3A = tpu.sem_alloc : memref<!tpu.dma_semaphore, #tpu.memory_space<semaphore_mem>>
        %dma_start3A = tpu.memref_slice %arg2[%add3A_26] : memref<160000xi32, #tpu.memory_space<hbm>> -> memref<40xi32, #tpu.memory_space<hbm>>
        %dma_start3A_27 = tpu.memref_slice %arg2[%add3A_26] : memref<160000xi32, #tpu.memory_space<hbm>> -> memref<40xi32, #tpu.memory_space<hbm>>
        tpu.enqueue_dma source(%dma_start3A_27 : memref<40xi32, #tpu.memory_space<hbm>>) target(%arg7 : memref<40xi32, #tpu.memory_space<vmem>>) target_semaphore(%run_scoped3A : memref<!tpu.dma_semaphore, #tpu.memory_space<semaphore_mem>>)
        %dma_wait3A = tpu.memref_slice %arg2[%add3A_26] : memref<160000xi32, #tpu.memory_space<hbm>> -> memref<40xi32, #tpu.memory_space<hbm>>
        %dma_wait3A_28 = tpu.memref_slice %arg2[%add3A_26] : memref<160000xi32, #tpu.memory_space<hbm>> -> memref<40xi32, #tpu.memory_space<hbm>>
        tpu.wait_dma2 semaphore(%run_scoped3A : memref<!tpu.dma_semaphore, #tpu.memory_space<semaphore_mem>>) src(%dma_wait3A_28 : memref<40xi32, #tpu.memory_space<hbm>>) dst(%arg7 : memref<40xi32, #tpu.memory_space<vmem>>)
        tpu.yield
      }) : () -> ()
      "tpu.region"() ({
        %run_scoped3A = tpu.sem_alloc : memref<!tpu.dma_semaphore, #tpu.memory_space<semaphore_mem>>
        %dma_start3A = arith.constant 0 : i32
        %dma_start3A_27 = tpu.memref_slice %arg6[%dma_start3A] : memref<10112xf32, #tpu.memory_space<vmem_shared>> -> memref<10112xf32, #tpu.memory_space<vmem_shared>>
        tpu.enqueue_indirect_dma source(%arg8 : memref<40xf32, #tpu.memory_space<vmem>>) target(%dma_start3A_27 : memref<10112xf32, #tpu.memory_space<vmem_shared>>) offsets(%arg7 : memref<40xi32, #tpu.memory_space<vmem>>) semaphore(%run_scoped3A : memref<!tpu.dma_semaphore, #tpu.memory_space<semaphore_mem>>) {add = true}
        %dma_wait3A = arith.constant 0 : i32
        %dma_wait3A_28 = tpu.memref_slice %arg6[%dma_wait3A] : memref<10112xf32, #tpu.memory_space<vmem_shared>> -> memref<10112xf32, #tpu.memory_space<vmem_shared>>
        tpu.wait_indirect_dma semaphore(%run_scoped3A : memref<!tpu.dma_semaphore, #tpu.memory_space<semaphore_mem>>) src(%arg8 : memref<40xf32, #tpu.memory_space<vmem>>) dst(%dma_wait3A_28 : memref<10112xf32, #tpu.memory_space<vmem_shared>>)
        tpu.yield
      }) : () -> ()
    }
    %scan3A_10 = arith.constant 125 : i32
    %barrier3A_11 = arith.constant 0 : index
    tpu.barrier barrier_id(%barrier3A_11)
    %mul3A_12 = arith.constant 632 : i32
    %mul3A_13 = arith.muli %arg1, %mul3A_12 : i32
    "tpu.region"() ({
      %run_scoped3A = tpu.sem_alloc : memref<!tpu.dma_semaphore, #tpu.memory_space<semaphore_mem>>
      %dma_start3A = tpu.memref_slice %arg6[%mul3A_13] : memref<10112xf32, #tpu.memory_space<vmem_shared>> -> memref<632xf32, #tpu.memory_space<vmem_shared>>
      %dma_start3A_19 = tpu.memref_slice %arg6[%mul3A_13] : memref<10112xf32, #tpu.memory_space<vmem_shared>> -> memref<632xf32, #tpu.memory_space<vmem_shared>>
      tpu.enqueue_dma source(%dma_start3A_19 : memref<632xf32, #tpu.memory_space<vmem_shared>>) target(%arg9 : memref<632xf32, #tpu.memory_space<vmem>>) target_semaphore(%run_scoped3A : memref<!tpu.dma_semaphore, #tpu.memory_space<semaphore_mem>>)
      %dma_wait3A = tpu.memref_slice %arg6[%mul3A_13] : memref<10112xf32, #tpu.memory_space<vmem_shared>> -> memref<632xf32, #tpu.memory_space<vmem_shared>>
      %dma_wait3A_20 = tpu.memref_slice %arg6[%mul3A_13] : memref<10112xf32, #tpu.memory_space<vmem_shared>> -> memref<632xf32, #tpu.memory_space<vmem_shared>>
      tpu.wait_dma2 semaphore(%run_scoped3A : memref<!tpu.dma_semaphore, #tpu.memory_space<semaphore_mem>>) src(%dma_wait3A_20 : memref<632xf32, #tpu.memory_space<vmem_shared>>) dst(%arg9 : memref<632xf32, #tpu.memory_space<vmem>>)
      tpu.yield
    }) : () -> ()
    %mul3A_14 = arith.constant 10112 : i32
    %mul3A_15 = arith.muli %arg0, %mul3A_14 : i32
    %mul3A_16 = arith.constant 632 : i32
    %mul3A_17 = arith.muli %arg1, %mul3A_16 : i32
    %add3A_18 = arith.addi %mul3A_15, %mul3A_17 : i32
    "tpu.region"() ({
      %run_scoped3A = tpu.sem_alloc : memref<!tpu.dma_semaphore, #tpu.memory_space<semaphore_mem>>
      %dma_start3A = tpu.memref_slice %arg5[%add3A_18] : memref<20224xf32, #tpu.memory_space<hbm>> -> memref<632xf32, #tpu.memory_space<hbm>>
      %dma_start3A_19 = tpu.memref_slice %arg5[%add3A_18] : memref<20224xf32, #tpu.memory_space<hbm>> -> memref<632xf32, #tpu.memory_space<hbm>>
      tpu.enqueue_dma source(%arg9 : memref<632xf32, #tpu.memory_space<vmem>>) target(%dma_start3A_19 : memref<632xf32, #tpu.memory_space<hbm>>) target_semaphore(%run_scoped3A : memref<!tpu.dma_semaphore, #tpu.memory_space<semaphore_mem>>)
      %dma_wait3A = tpu.memref_slice %arg5[%add3A_18] : memref<20224xf32, #tpu.memory_space<hbm>> -> memref<632xf32, #tpu.memory_space<hbm>>
      %dma_wait3A_20 = tpu.memref_slice %arg5[%add3A_18] : memref<20224xf32, #tpu.memory_space<hbm>> -> memref<632xf32, #tpu.memory_space<hbm>>
      tpu.wait_dma2 semaphore(%run_scoped3A : memref<!tpu.dma_semaphore, #tpu.memory_space<semaphore_mem>>) src(%arg9 : memref<632xf32, #tpu.memory_space<vmem>>) dst(%dma_wait3A_20 : memref<632xf32, #tpu.memory_space<hbm>>)
      tpu.yield
    }) : () -> ()
    return
  }
}

#map = affine_map<(d0, d1) -> (0, 0)>
#map1 = affine_map<(d0, d1) -> (0)>
module attributes {stable_mosaic.version = 14 : i64} {
  func.func @agg_kernel(%arg0: i32, %arg1: i32, %arg2: memref<20000x128xf32, #tpu.memory_space<hbm>>, %arg3: memref<320000xi32, #tpu.memory_space<hbm>>, %arg4: memref<160000xi32, #tpu.memory_space<hbm>>, %arg5: memref<20000x128xf32, #tpu.memory_space<hbm>>, %arg6: memref<10000x128xf32, #tpu.memory_space<vmem_shared>>, %arg7: memref<10000xi32, #tpu.memory_space<vmem>>, %arg8: memref<10000xi32, #tpu.memory_space<vmem>>, %arg9: memref<80x128xf32, #tpu.memory_space<vmem>>, %arg10: memref<80x128xf32, #tpu.memory_space<vmem>>, %arg11: memref<!tpu.dma_semaphore, #tpu.memory_space<semaphore_mem>>, %arg12: memref<!tpu.dma_semaphore, #tpu.memory_space<semaphore_mem>>) attributes {dimension_semantics = [#tpu.dimension_semantics<core_parallel>, #tpu.dimension_semantics<subcore_parallel>], iteration_bounds = array<i64: 2, 16>, scalar_prefetch = 0 : i64, scratch_operands = 7 : i64, tpu.core_type = #tpu.core_type<sc_vector_subcore>, window_params = [{transform_indices = #map}, {transform_indices = #map1}, {transform_indices = #map1}, {transform_indices = #map}]} {
    %mul3A = arith.constant 632 : i32
    %mul3A_0 = arith.muli %arg1, %mul3A : i32
    %mul3A_1 = arith.constant 10000 : i32
    %mul3A_2 = arith.muli %arg0, %mul3A_1 : i32
    %mul3A_3 = arith.constant 160000 : i32
    %mul3A_4 = arith.muli %arg0, %mul3A_3 : i32
    %mul3A_5 = arith.constant 10000 : i32
    %mul3A_6 = arith.muli %arg1, %mul3A_5 : i32
    %add3A = arith.addi %mul3A_4, %mul3A_6 : i32
    %mul3A_7 = arith.constant 10000 : i32
    %mul3A_8 = arith.muli %arg1, %mul3A_7 : i32
    "tpu.region"() ({
      %run_scoped3A = tpu.sem_alloc : memref<!tpu.dma_semaphore, #tpu.memory_space<semaphore_mem>>
      %dma_start3A_39 = tpu.memref_slice %arg3[%add3A] : memref<320000xi32, #tpu.memory_space<hbm>> -> memref<10000xi32, #tpu.memory_space<hbm>>
      %dma_start3A_40 = tpu.memref_slice %arg3[%add3A] : memref<320000xi32, #tpu.memory_space<hbm>> -> memref<10000xi32, #tpu.memory_space<hbm>>
      tpu.enqueue_dma source(%dma_start3A_40 : memref<10000xi32, #tpu.memory_space<hbm>>) target(%arg7 : memref<10000xi32, #tpu.memory_space<vmem>>) target_semaphore(%run_scoped3A : memref<!tpu.dma_semaphore, #tpu.memory_space<semaphore_mem>>)
      %dma_wait3A_41 = tpu.memref_slice %arg3[%add3A] : memref<320000xi32, #tpu.memory_space<hbm>> -> memref<10000xi32, #tpu.memory_space<hbm>>
      %dma_wait3A_42 = tpu.memref_slice %arg3[%add3A] : memref<320000xi32, #tpu.memory_space<hbm>> -> memref<10000xi32, #tpu.memory_space<hbm>>
      tpu.wait_dma2 semaphore(%run_scoped3A : memref<!tpu.dma_semaphore, #tpu.memory_space<semaphore_mem>>) src(%dma_wait3A_42 : memref<10000xi32, #tpu.memory_space<hbm>>) dst(%arg7 : memref<10000xi32, #tpu.memory_space<vmem>>)
      tpu.yield
    }) : () -> ()
    "tpu.region"() ({
      %run_scoped3A = tpu.sem_alloc : memref<!tpu.dma_semaphore, #tpu.memory_space<semaphore_mem>>
      %dma_start3A_39 = tpu.memref_slice %arg4[%mul3A_8] : memref<160000xi32, #tpu.memory_space<hbm>> -> memref<10000xi32, #tpu.memory_space<hbm>>
      %dma_start3A_40 = tpu.memref_slice %arg4[%mul3A_8] : memref<160000xi32, #tpu.memory_space<hbm>> -> memref<10000xi32, #tpu.memory_space<hbm>>
      tpu.enqueue_dma source(%dma_start3A_40 : memref<10000xi32, #tpu.memory_space<hbm>>) target(%arg8 : memref<10000xi32, #tpu.memory_space<vmem>>) target_semaphore(%run_scoped3A : memref<!tpu.dma_semaphore, #tpu.memory_space<semaphore_mem>>)
      %dma_wait3A_41 = tpu.memref_slice %arg4[%mul3A_8] : memref<160000xi32, #tpu.memory_space<hbm>> -> memref<10000xi32, #tpu.memory_space<hbm>>
      %dma_wait3A_42 = tpu.memref_slice %arg4[%mul3A_8] : memref<160000xi32, #tpu.memory_space<hbm>> -> memref<10000xi32, #tpu.memory_space<hbm>>
      tpu.wait_dma2 semaphore(%run_scoped3A : memref<!tpu.dma_semaphore, #tpu.memory_space<semaphore_mem>>) src(%dma_wait3A_42 : memref<10000xi32, #tpu.memory_space<hbm>>) dst(%arg8 : memref<10000xi32, #tpu.memory_space<vmem>>)
      tpu.yield
    }) : () -> ()
    %lt3A = arith.constant 15 : i32
    %lt3A_9 = arith.cmpi slt, %arg1, %lt3A : i32
    %convert_element_type3A = arith.extui %lt3A_9 : i1 to i32
    %cond3A = arith.constant 0 : i32
    %cond3A_10 = arith.cmpi ne, %convert_element_type3A, %cond3A : i32
    scf.if %cond3A_10 {
      %add3A_39 = arith.addi %mul3A_2, %mul3A_0 : i32
      "tpu.region"() ({
        %run_scoped3A = tpu.sem_alloc : memref<!tpu.dma_semaphore, #tpu.memory_space<semaphore_mem>>
        %dma_start3A_40 = arith.constant 0 : i32
        %dma_start3A_41 = tpu.memref_slice %arg6[%mul3A_0, %dma_start3A_40] : memref<10000x128xf32, #tpu.memory_space<vmem_shared>> -> memref<632x128xf32, #tpu.memory_space<vmem_shared>>
        %dma_start3A_42 = arith.constant 0 : i32
        %dma_start3A_43 = tpu.memref_slice %arg2[%add3A_39, %dma_start3A_42] : memref<20000x128xf32, #tpu.memory_space<hbm>> -> memref<632x128xf32, #tpu.memory_space<hbm>>
        tpu.enqueue_dma source(%dma_start3A_43 : memref<632x128xf32, #tpu.memory_space<hbm>>) target(%dma_start3A_41 : memref<632x128xf32, #tpu.memory_space<vmem_shared>>) target_semaphore(%run_scoped3A : memref<!tpu.dma_semaphore, #tpu.memory_space<semaphore_mem>>)
        %dma_wait3A_44 = arith.constant 0 : i32
        %dma_wait3A_45 = tpu.memref_slice %arg6[%mul3A_0, %dma_wait3A_44] : memref<10000x128xf32, #tpu.memory_space<vmem_shared>> -> memref<632x128xf32, #tpu.memory_space<vmem_shared>>
        %dma_wait3A_46 = arith.constant 0 : i32
        %dma_wait3A_47 = tpu.memref_slice %arg2[%add3A_39, %dma_wait3A_46] : memref<20000x128xf32, #tpu.memory_space<hbm>> -> memref<632x128xf32, #tpu.memory_space<hbm>>
        tpu.wait_dma2 semaphore(%run_scoped3A : memref<!tpu.dma_semaphore, #tpu.memory_space<semaphore_mem>>) src(%dma_wait3A_47 : memref<632x128xf32, #tpu.memory_space<hbm>>) dst(%dma_wait3A_45 : memref<632x128xf32, #tpu.memory_space<vmem_shared>>)
        tpu.yield
      }) : () -> ()
    } else {
    }
    %eq3A = arith.constant 15 : i32
    %eq3A_11 = arith.cmpi eq, %arg1, %eq3A : i32
    %convert_element_type3A_12 = arith.extui %eq3A_11 : i1 to i32
    %cond3A_13 = arith.constant 0 : i32
    %cond3A_14 = arith.cmpi ne, %convert_element_type3A_12, %cond3A_13 : i32
    scf.if %cond3A_14 {
      %add3A_39 = arith.addi %mul3A_2, %mul3A_0 : i32
      "tpu.region"() ({
        %run_scoped3A = tpu.sem_alloc : memref<!tpu.dma_semaphore, #tpu.memory_space<semaphore_mem>>
        %dma_start3A_40 = arith.constant 0 : i32
        %dma_start3A_41 = tpu.memref_slice %arg6[%mul3A_0, %dma_start3A_40] : memref<10000x128xf32, #tpu.memory_space<vmem_shared>> -> memref<520x128xf32, #tpu.memory_space<vmem_shared>>
        %dma_start3A_42 = arith.constant 0 : i32
        %dma_start3A_43 = tpu.memref_slice %arg2[%add3A_39, %dma_start3A_42] : memref<20000x128xf32, #tpu.memory_space<hbm>> -> memref<520x128xf32, #tpu.memory_space<hbm>>
        tpu.enqueue_dma source(%dma_start3A_43 : memref<520x128xf32, #tpu.memory_space<hbm>>) target(%dma_start3A_41 : memref<520x128xf32, #tpu.memory_space<vmem_shared>>) target_semaphore(%run_scoped3A : memref<!tpu.dma_semaphore, #tpu.memory_space<semaphore_mem>>)
        %dma_wait3A_44 = arith.constant 0 : i32
        %dma_wait3A_45 = tpu.memref_slice %arg6[%mul3A_0, %dma_wait3A_44] : memref<10000x128xf32, #tpu.memory_space<vmem_shared>> -> memref<520x128xf32, #tpu.memory_space<vmem_shared>>
        %dma_wait3A_46 = arith.constant 0 : i32
        %dma_wait3A_47 = tpu.memref_slice %arg2[%add3A_39, %dma_wait3A_46] : memref<20000x128xf32, #tpu.memory_space<hbm>> -> memref<520x128xf32, #tpu.memory_space<hbm>>
        tpu.wait_dma2 semaphore(%run_scoped3A : memref<!tpu.dma_semaphore, #tpu.memory_space<semaphore_mem>>) src(%dma_wait3A_47 : memref<520x128xf32, #tpu.memory_space<hbm>>) dst(%dma_wait3A_45 : memref<520x128xf32, #tpu.memory_space<vmem_shared>>)
        tpu.yield
      }) : () -> ()
    } else {
    }
    %barrier3A = arith.constant 0 : index
    tpu.barrier barrier_id(%barrier3A)
    %dma_start3A = arith.constant 0 : i32
    %dma_start3A_15 = tpu.memref_slice %arg7[%dma_start3A] : memref<10000xi32, #tpu.memory_space<vmem>> -> memref<80xi32, #tpu.memory_space<vmem>>
    %dma_start3A_16 = arith.constant 0 : i32
    %dma_start3A_17 = arith.constant 0 : i32
    %dma_start3A_18 = tpu.memref_slice %arg2[%dma_start3A_16, %dma_start3A_17] : memref<20000x128xf32, #tpu.memory_space<hbm>> -> memref<20000x128xf32, #tpu.memory_space<hbm>>
    tpu.enqueue_indirect_dma source(%dma_start3A_18 : memref<20000x128xf32, #tpu.memory_space<hbm>>) target(%arg9 : memref<80x128xf32, #tpu.memory_space<vmem>>) offsets(%dma_start3A_15 : memref<80xi32, #tpu.memory_space<vmem>>) semaphore(%arg11 : memref<!tpu.dma_semaphore, #tpu.memory_space<semaphore_mem>>)
    %scan3A = arith.constant 0 : i32
    %scan3A_19 = arith.constant 62 : i32
    %scan3A_20 = arith.addi %scan3A, %scan3A_19 : i32
    %scan3A_21 = arith.constant 1 : i32
    scf.for %scan3A_39 = %scan3A to %scan3A_20 step %scan3A_21  : i32 {
      %mul3A_40 = arith.constant 1 : i32
      %mul3A_41 = arith.muli %scan3A_39, %mul3A_40 : i32
      %add3A_42 = arith.constant 0 : i32
      %add3A_43 = arith.addi %add3A_42, %mul3A_41 : i32
      %mul3A_44 = arith.constant 2 : i32
      %mul3A_45 = arith.muli %mul3A_44, %add3A_43 : i32
      %add3A_46 = arith.constant 1 : i32
      %add3A_47 = arith.addi %mul3A_45, %add3A_46 : i32
      %mul3A_48 = arith.constant 80 : i32
      %mul3A_49 = arith.muli %add3A_47, %mul3A_48 : i32
      %dma_start3A_50 = tpu.memref_slice %arg7[%mul3A_49] : memref<10000xi32, #tpu.memory_space<vmem>> -> memref<80xi32, #tpu.memory_space<vmem>>
      %dma_start3A_51 = arith.constant 0 : i32
      %dma_start3A_52 = arith.constant 0 : i32
      %dma_start3A_53 = tpu.memref_slice %arg2[%dma_start3A_51, %dma_start3A_52] : memref<20000x128xf32, #tpu.memory_space<hbm>> -> memref<20000x128xf32, #tpu.memory_space<hbm>>
      tpu.enqueue_indirect_dma source(%dma_start3A_53 : memref<20000x128xf32, #tpu.memory_space<hbm>>) target(%arg10 : memref<80x128xf32, #tpu.memory_space<vmem>>) offsets(%dma_start3A_50 : memref<80xi32, #tpu.memory_space<vmem>>) semaphore(%arg12 : memref<!tpu.dma_semaphore, #tpu.memory_space<semaphore_mem>>)
      %dma_wait3A_54 = arith.constant 0 : i32
      %dma_wait3A_55 = arith.constant 0 : i32
      %dma_wait3A_56 = tpu.memref_slice %arg2[%dma_wait3A_54, %dma_wait3A_55] : memref<20000x128xf32, #tpu.memory_space<hbm>> -> memref<80x128xf32, #tpu.memory_space<hbm>>
      %dma_wait3A_57 = arith.constant 0 : i32
      %dma_wait3A_58 = arith.constant 0 : i32
      %dma_wait3A_59 = tpu.memref_slice %arg2[%dma_wait3A_57, %dma_wait3A_58] : memref<20000x128xf32, #tpu.memory_space<hbm>> -> memref<80x128xf32, #tpu.memory_space<hbm>>
      tpu.wait_dma2 semaphore(%arg11 : memref<!tpu.dma_semaphore, #tpu.memory_space<semaphore_mem>>) src(%dma_wait3A_59 : memref<80x128xf32, #tpu.memory_space<hbm>>) dst(%arg9 : memref<80x128xf32, #tpu.memory_space<vmem>>)
      %mul3A_60 = arith.constant 80 : i32
      %mul3A_61 = arith.muli %mul3A_45, %mul3A_60 : i32
      "tpu.region"() ({
        %run_scoped3A = tpu.sem_alloc : memref<!tpu.dma_semaphore, #tpu.memory_space<semaphore_mem>>
        %dma_start3A_80 = tpu.memref_slice %arg8[%mul3A_61] : memref<10000xi32, #tpu.memory_space<vmem>> -> memref<80xi32, #tpu.memory_space<vmem>>
        %dma_start3A_81 = arith.constant 0 : i32
        %dma_start3A_82 = arith.constant 0 : i32
        %dma_start3A_83 = tpu.memref_slice %arg6[%dma_start3A_81, %dma_start3A_82] : memref<10000x128xf32, #tpu.memory_space<vmem_shared>> -> memref<10000x128xf32, #tpu.memory_space<vmem_shared>>
        tpu.enqueue_indirect_dma source(%arg9 : memref<80x128xf32, #tpu.memory_space<vmem>>) target(%dma_start3A_83 : memref<10000x128xf32, #tpu.memory_space<vmem_shared>>) offsets(%dma_start3A_80 : memref<80xi32, #tpu.memory_space<vmem>>) semaphore(%run_scoped3A : memref<!tpu.dma_semaphore, #tpu.memory_space<semaphore_mem>>) {add = true}
        %dma_wait3A_84 = tpu.memref_slice %arg8[%mul3A_61] : memref<10000xi32, #tpu.memory_space<vmem>> -> memref<80xi32, #tpu.memory_space<vmem>>
        %dma_wait3A_85 = arith.constant 0 : i32
        %dma_wait3A_86 = arith.constant 0 : i32
        %dma_wait3A_87 = tpu.memref_slice %arg6[%dma_wait3A_85, %dma_wait3A_86] : memref<10000x128xf32, #tpu.memory_space<vmem_shared>> -> memref<10000x128xf32, #tpu.memory_space<vmem_shared>>
        tpu.wait_indirect_dma semaphore(%run_scoped3A : memref<!tpu.dma_semaphore, #tpu.memory_space<semaphore_mem>>) src(%arg9 : memref<80x128xf32, #tpu.memory_space<vmem>>) dst(%dma_wait3A_87 : memref<10000x128xf32, #tpu.memory_space<vmem_shared>>)
        tpu.yield
      }) : () -> ()
      %add3A_62 = arith.constant 2 : i32
      %add3A_63 = arith.addi %mul3A_45, %add3A_62 : i32
      %mul3A_64 = arith.constant 80 : i32
      %mul3A_65 = arith.muli %add3A_63, %mul3A_64 : i32
      %dma_start3A_66 = tpu.memref_slice %arg7[%mul3A_65] : memref<10000xi32, #tpu.memory_space<vmem>> -> memref<80xi32, #tpu.memory_space<vmem>>
      %dma_start3A_67 = arith.constant 0 : i32
      %dma_start3A_68 = arith.constant 0 : i32
      %dma_start3A_69 = tpu.memref_slice %arg2[%dma_start3A_67, %dma_start3A_68] : memref<20000x128xf32, #tpu.memory_space<hbm>> -> memref<20000x128xf32, #tpu.memory_space<hbm>>
      tpu.enqueue_indirect_dma source(%dma_start3A_69 : memref<20000x128xf32, #tpu.memory_space<hbm>>) target(%arg9 : memref<80x128xf32, #tpu.memory_space<vmem>>) offsets(%dma_start3A_66 : memref<80xi32, #tpu.memory_space<vmem>>) semaphore(%arg11 : memref<!tpu.dma_semaphore, #tpu.memory_space<semaphore_mem>>)
      %dma_wait3A_70 = arith.constant 0 : i32
      %dma_wait3A_71 = arith.constant 0 : i32
      %dma_wait3A_72 = tpu.memref_slice %arg2[%dma_wait3A_70, %dma_wait3A_71] : memref<20000x128xf32, #tpu.memory_space<hbm>> -> memref<80x128xf32, #tpu.memory_space<hbm>>
      %dma_wait3A_73 = arith.constant 0 : i32
      %dma_wait3A_74 = arith.constant 0 : i32
      %dma_wait3A_75 = tpu.memref_slice %arg2[%dma_wait3A_73, %dma_wait3A_74] : memref<20000x128xf32, #tpu.memory_space<hbm>> -> memref<80x128xf32, #tpu.memory_space<hbm>>
      tpu.wait_dma2 semaphore(%arg12 : memref<!tpu.dma_semaphore, #tpu.memory_space<semaphore_mem>>) src(%dma_wait3A_75 : memref<80x128xf32, #tpu.memory_space<hbm>>) dst(%arg10 : memref<80x128xf32, #tpu.memory_space<vmem>>)
      %add3A_76 = arith.constant 1 : i32
      %add3A_77 = arith.addi %mul3A_45, %add3A_76 : i32
      %mul3A_78 = arith.constant 80 : i32
      %mul3A_79 = arith.muli %add3A_77, %mul3A_78 : i32
      "tpu.region"() ({
        %run_scoped3A = tpu.sem_alloc : memref<!tpu.dma_semaphore, #tpu.memory_space<semaphore_mem>>
        %dma_start3A_80 = tpu.memref_slice %arg8[%mul3A_79] : memref<10000xi32, #tpu.memory_space<vmem>> -> memref<80xi32, #tpu.memory_space<vmem>>
        %dma_start3A_81 = arith.constant 0 : i32
        %dma_start3A_82 = arith.constant 0 : i32
        %dma_start3A_83 = tpu.memref_slice %arg6[%dma_start3A_81, %dma_start3A_82] : memref<10000x128xf32, #tpu.memory_space<vmem_shared>> -> memref<10000x128xf32, #tpu.memory_space<vmem_shared>>
        tpu.enqueue_indirect_dma source(%arg10 : memref<80x128xf32, #tpu.memory_space<vmem>>) target(%dma_start3A_83 : memref<10000x128xf32, #tpu.memory_space<vmem_shared>>) offsets(%dma_start3A_80 : memref<80xi32, #tpu.memory_space<vmem>>) semaphore(%run_scoped3A : memref<!tpu.dma_semaphore, #tpu.memory_space<semaphore_mem>>) {add = true}
        %dma_wait3A_84 = tpu.memref_slice %arg8[%mul3A_79] : memref<10000xi32, #tpu.memory_space<vmem>> -> memref<80xi32, #tpu.memory_space<vmem>>
        %dma_wait3A_85 = arith.constant 0 : i32
        %dma_wait3A_86 = arith.constant 0 : i32
        %dma_wait3A_87 = tpu.memref_slice %arg6[%dma_wait3A_85, %dma_wait3A_86] : memref<10000x128xf32, #tpu.memory_space<vmem_shared>> -> memref<10000x128xf32, #tpu.memory_space<vmem_shared>>
        tpu.wait_indirect_dma semaphore(%run_scoped3A : memref<!tpu.dma_semaphore, #tpu.memory_space<semaphore_mem>>) src(%arg10 : memref<80x128xf32, #tpu.memory_space<vmem>>) dst(%dma_wait3A_87 : memref<10000x128xf32, #tpu.memory_space<vmem_shared>>)
        tpu.yield
      }) : () -> ()
    }
    %scan3A_22 = arith.constant 62 : i32
    %dma_wait3A = arith.constant 0 : i32
    %dma_wait3A_23 = arith.constant 0 : i32
    %dma_wait3A_24 = tpu.memref_slice %arg2[%dma_wait3A, %dma_wait3A_23] : memref<20000x128xf32, #tpu.memory_space<hbm>> -> memref<80x128xf32, #tpu.memory_space<hbm>>
    %dma_wait3A_25 = arith.constant 0 : i32
    %dma_wait3A_26 = arith.constant 0 : i32
    %dma_wait3A_27 = tpu.memref_slice %arg2[%dma_wait3A_25, %dma_wait3A_26] : memref<20000x128xf32, #tpu.memory_space<hbm>> -> memref<80x128xf32, #tpu.memory_space<hbm>>
    tpu.wait_dma2 semaphore(%arg11 : memref<!tpu.dma_semaphore, #tpu.memory_space<semaphore_mem>>) src(%dma_wait3A_27 : memref<80x128xf32, #tpu.memory_space<hbm>>) dst(%arg9 : memref<80x128xf32, #tpu.memory_space<vmem>>)
    "tpu.region"() ({
      %run_scoped3A = tpu.sem_alloc : memref<!tpu.dma_semaphore, #tpu.memory_space<semaphore_mem>>
      %dma_start3A_39 = arith.constant 9920 : i32
      %dma_start3A_40 = tpu.memref_slice %arg8[%dma_start3A_39] : memref<10000xi32, #tpu.memory_space<vmem>> -> memref<80xi32, #tpu.memory_space<vmem>>
      %dma_start3A_41 = arith.constant 0 : i32
      %dma_start3A_42 = arith.constant 0 : i32
      %dma_start3A_43 = tpu.memref_slice %arg6[%dma_start3A_41, %dma_start3A_42] : memref<10000x128xf32, #tpu.memory_space<vmem_shared>> -> memref<10000x128xf32, #tpu.memory_space<vmem_shared>>
      tpu.enqueue_indirect_dma source(%arg9 : memref<80x128xf32, #tpu.memory_space<vmem>>) target(%dma_start3A_43 : memref<10000x128xf32, #tpu.memory_space<vmem_shared>>) offsets(%dma_start3A_40 : memref<80xi32, #tpu.memory_space<vmem>>) semaphore(%run_scoped3A : memref<!tpu.dma_semaphore, #tpu.memory_space<semaphore_mem>>) {add = true}
      %dma_wait3A_44 = arith.constant 9920 : i32
      %dma_wait3A_45 = tpu.memref_slice %arg8[%dma_wait3A_44] : memref<10000xi32, #tpu.memory_space<vmem>> -> memref<80xi32, #tpu.memory_space<vmem>>
      %dma_wait3A_46 = arith.constant 0 : i32
      %dma_wait3A_47 = arith.constant 0 : i32
      %dma_wait3A_48 = tpu.memref_slice %arg6[%dma_wait3A_46, %dma_wait3A_47] : memref<10000x128xf32, #tpu.memory_space<vmem_shared>> -> memref<10000x128xf32, #tpu.memory_space<vmem_shared>>
      tpu.wait_indirect_dma semaphore(%run_scoped3A : memref<!tpu.dma_semaphore, #tpu.memory_space<semaphore_mem>>) src(%arg9 : memref<80x128xf32, #tpu.memory_space<vmem>>) dst(%dma_wait3A_48 : memref<10000x128xf32, #tpu.memory_space<vmem_shared>>)
      tpu.yield
    }) : () -> ()
    %barrier3A_28 = arith.constant 0 : index
    tpu.barrier barrier_id(%barrier3A_28)
    %lt3A_29 = arith.constant 15 : i32
    %lt3A_30 = arith.cmpi slt, %arg1, %lt3A_29 : i32
    %convert_element_type3A_31 = arith.extui %lt3A_30 : i1 to i32
    %cond3A_32 = arith.constant 0 : i32
    %cond3A_33 = arith.cmpi ne, %convert_element_type3A_31, %cond3A_32 : i32
    scf.if %cond3A_33 {
      %mul3A_39 = arith.constant 10000 : i32
      %mul3A_40 = arith.muli %arg0, %mul3A_39 : i32
      %add3A_41 = arith.addi %mul3A_40, %mul3A_0 : i32
      "tpu.region"() ({
        %run_scoped3A = tpu.sem_alloc : memref<!tpu.dma_semaphore, #tpu.memory_space<semaphore_mem>>
        %dma_start3A_42 = arith.constant 0 : i32
        %dma_start3A_43 = tpu.memref_slice %arg5[%add3A_41, %dma_start3A_42] : memref<20000x128xf32, #tpu.memory_space<hbm>> -> memref<632x128xf32, #tpu.memory_space<hbm>>
        %dma_start3A_44 = arith.constant 0 : i32
        %dma_start3A_45 = tpu.memref_slice %arg6[%mul3A_0, %dma_start3A_44] : memref<10000x128xf32, #tpu.memory_space<vmem_shared>> -> memref<632x128xf32, #tpu.memory_space<vmem_shared>>
        tpu.enqueue_dma source(%dma_start3A_45 : memref<632x128xf32, #tpu.memory_space<vmem_shared>>) target(%dma_start3A_43 : memref<632x128xf32, #tpu.memory_space<hbm>>) target_semaphore(%run_scoped3A : memref<!tpu.dma_semaphore, #tpu.memory_space<semaphore_mem>>)
        %dma_wait3A_46 = arith.constant 0 : i32
        %dma_wait3A_47 = tpu.memref_slice %arg5[%add3A_41, %dma_wait3A_46] : memref<20000x128xf32, #tpu.memory_space<hbm>> -> memref<632x128xf32, #tpu.memory_space<hbm>>
        %dma_wait3A_48 = arith.constant 0 : i32
        %dma_wait3A_49 = tpu.memref_slice %arg6[%mul3A_0, %dma_wait3A_48] : memref<10000x128xf32, #tpu.memory_space<vmem_shared>> -> memref<632x128xf32, #tpu.memory_space<vmem_shared>>
        tpu.wait_dma2 semaphore(%run_scoped3A : memref<!tpu.dma_semaphore, #tpu.memory_space<semaphore_mem>>) src(%dma_wait3A_49 : memref<632x128xf32, #tpu.memory_space<vmem_shared>>) dst(%dma_wait3A_47 : memref<632x128xf32, #tpu.memory_space<hbm>>)
        tpu.yield
      }) : () -> ()
    } else {
    }
    %eq3A_34 = arith.constant 15 : i32
    %eq3A_35 = arith.cmpi eq, %arg1, %eq3A_34 : i32
    %convert_element_type3A_36 = arith.extui %eq3A_35 : i1 to i32
    %cond3A_37 = arith.constant 0 : i32
    %cond3A_38 = arith.cmpi ne, %convert_element_type3A_36, %cond3A_37 : i32
    scf.if %cond3A_38 {
      %mul3A_39 = arith.constant 10000 : i32
      %mul3A_40 = arith.muli %arg0, %mul3A_39 : i32
      %add3A_41 = arith.addi %mul3A_40, %mul3A_0 : i32
      "tpu.region"() ({
        %run_scoped3A = tpu.sem_alloc : memref<!tpu.dma_semaphore, #tpu.memory_space<semaphore_mem>>
        %dma_start3A_42 = arith.constant 0 : i32
        %dma_start3A_43 = tpu.memref_slice %arg5[%add3A_41, %dma_start3A_42] : memref<20000x128xf32, #tpu.memory_space<hbm>> -> memref<520x128xf32, #tpu.memory_space<hbm>>
        %dma_start3A_44 = arith.constant 0 : i32
        %dma_start3A_45 = tpu.memref_slice %arg6[%mul3A_0, %dma_start3A_44] : memref<10000x128xf32, #tpu.memory_space<vmem_shared>> -> memref<520x128xf32, #tpu.memory_space<vmem_shared>>
        tpu.enqueue_dma source(%dma_start3A_45 : memref<520x128xf32, #tpu.memory_space<vmem_shared>>) target(%dma_start3A_43 : memref<520x128xf32, #tpu.memory_space<hbm>>) target_semaphore(%run_scoped3A : memref<!tpu.dma_semaphore, #tpu.memory_space<semaphore_mem>>)
        %dma_wait3A_46 = arith.constant 0 : i32
        %dma_wait3A_47 = tpu.memref_slice %arg5[%add3A_41, %dma_wait3A_46] : memref<20000x128xf32, #tpu.memory_space<hbm>> -> memref<520x128xf32, #tpu.memory_space<hbm>>
        %dma_wait3A_48 = arith.constant 0 : i32
        %dma_wait3A_49 = tpu.memref_slice %arg6[%mul3A_0, %dma_wait3A_48] : memref<10000x128xf32, #tpu.memory_space<vmem_shared>> -> memref<520x128xf32, #tpu.memory_space<vmem_shared>>
        tpu.wait_dma2 semaphore(%run_scoped3A : memref<!tpu.dma_semaphore, #tpu.memory_space<semaphore_mem>>) src(%dma_wait3A_49 : memref<520x128xf32, #tpu.memory_space<vmem_shared>>) dst(%dma_wait3A_47 : memref<520x128xf32, #tpu.memory_space<hbm>>)
        tpu.yield
      }) : () -> ()
    } else {
    }
    return
  }
}

module attributes {stable_mosaic.version = 14 : i64} {
  func.func @body(%arg0: i32, %arg1: i32, %arg2: memref<1000x256xf32, #tpu.memory_space<vmem>>, %arg3: memref<1000x256xf32, #tpu.memory_space<vmem>>, %arg4: memref<512x128xf32, #tpu.memory_space<vmem>>, %arg5: memref<1000x1xf32, #tpu.memory_space<vmem>>, %arg6: memref<1000x1xf32, #tpu.memory_space<vmem>>, %arg7: memref<1000x128xf32, #tpu.memory_space<vmem>>, %arg8: memref<1000x1xf32, #tpu.memory_space<vmem>>) attributes {dimension_semantics = [#tpu.dimension_semantics<arbitrary>, #tpu.dimension_semantics<arbitrary>], iteration_bounds = array<i64: 10, 2>, scalar_prefetch = 0 : i64, scratch_operands = 0 : i64, tpu.core_type = #tpu.core_type<tc>, window_params = [{transform_indices = @transform_0, window_bounds = array<i64: 1000, 256>}, {transform_indices = @transform_1, window_bounds = array<i64: 1000, 256>}, {transform_indices = @transform_2, window_bounds = array<i64: 512, 128>}, {transform_indices = @transform_3, window_bounds = array<i64: 1000, 1>}, {transform_indices = @transform_4, window_bounds = array<i64: 1000, 1>}, {transform_indices = @transform_5, window_bounds = array<i64: 1000, 128>}, {transform_indices = @transform_6, window_bounds = array<i64: 1000, 1>}]} {
    %get3A = arith.constant 0 : index
    %get3A_0 = arith.constant 0 : index
    %get3A_1 = vector.load %arg5[%get3A, %get3A_0] : memref<1000x1xf32, #tpu.memory_space<vmem>>, vector<1000x1xf32>
    %get3A_2 = arith.constant 0 : index
    %get3A_3 = arith.constant 0 : index
    %get3A_4 = vector.load %arg6[%get3A_2, %get3A_3] : memref<1000x1xf32, #tpu.memory_space<vmem>>, vector<1000x1xf32>
    %add3A = arith.addf %get3A_1, %get3A_4 : vector<1000x1xf32>
    %add3A_5 = arith.constant 1.000000e+00 : f32
    %add3A_6 = vector.broadcast %add3A_5 : f32 to vector<1000x1xf32>
    %add3A_7 = arith.addf %add3A, %add3A_6 : vector<1000x1xf32>
    %rsqrt3A = math.rsqrt %add3A_7 : vector<1000x1xf32>
    %get3A_8 = arith.constant 0 : index
    %get3A_9 = arith.constant 0 : index
    %get3A_10 = vector.load %arg2[%get3A_8, %get3A_9] : memref<1000x256xf32, #tpu.memory_space<vmem>>, vector<1000x256xf32>
    %get3A_11 = arith.constant 0 : index
    %get3A_12 = arith.constant 0 : index
    %get3A_13 = vector.load %arg4[%get3A_11, %get3A_12] : memref<512x128xf32, #tpu.memory_space<vmem>>, vector<256x128xf32>
    %dot_general3A = arith.constant dense<0.000000e+00> : vector<1000x128xf32>
    %dot_general3A_14 = tpu.matmul %get3A_10, %get3A_13, %dot_general3A {dimension_numbers = #tpu.dot_dimension_numbers<[1], [0], [0], [1], [0, 0, 1, 1], [], []>, transpose_lhs_hint = false} : vector<1000x256xf32>, vector<256x128xf32>, vector<1000x128xf32> -> vector<1000x128xf32>
    %get3A_15 = arith.constant 0 : index
    %get3A_16 = arith.constant 0 : index
    %get3A_17 = vector.load %arg3[%get3A_15, %get3A_16] : memref<1000x256xf32, #tpu.memory_space<vmem>>, vector<1000x256xf32>
    %get3A_18 = arith.constant 256 : index
    %get3A_19 = arith.constant 0 : index
    %get3A_20 = vector.load %arg4[%get3A_18, %get3A_19] : memref<512x128xf32, #tpu.memory_space<vmem>>, vector<256x128xf32>
    %dot_general3A_21 = arith.constant dense<0.000000e+00> : vector<1000x128xf32>
    %dot_general3A_22 = tpu.matmul %get3A_17, %get3A_20, %dot_general3A_21 {dimension_numbers = #tpu.dot_dimension_numbers<[1], [0], [0], [1], [0, 0, 1, 1], [], []>, transpose_lhs_hint = false} : vector<1000x256xf32>, vector<256x128xf32>, vector<1000x128xf32> -> vector<1000x128xf32>
    %add3A_23 = arith.addf %dot_general3A_14, %dot_general3A_22 : vector<1000x128xf32>
    %mul3A = vector.broadcast %rsqrt3A : vector<1000x1xf32> to vector<1000x128xf32>
    %mul3A_24 = arith.mulf %add3A_23, %mul3A : vector<1000x128xf32>
    %swap3A = arith.constant 0 : index
    %swap3A_25 = arith.constant 0 : index
    %swap3A_26 = vector.load %arg7[%swap3A, %swap3A_25] : memref<1000x128xf32, #tpu.memory_space<vmem>>, vector<1000x128xf32>
    tpu.vector_store %arg7[%swap3A, %swap3A_25], %mul3A_24 {strides = array<i32>} : memref<1000x128xf32, #tpu.memory_space<vmem>>, vector<1000x128xf32>,
    %swap3A_27 = arith.constant 0 : index
    %swap3A_28 = arith.constant 0 : index
    %swap3A_29 = vector.load %arg8[%swap3A_27, %swap3A_28] : memref<1000x1xf32, #tpu.memory_space<vmem>>, vector<1000x1xf32>
    tpu.vector_store %arg8[%swap3A_27, %swap3A_28], %rsqrt3A {strides = array<i32>} : memref<1000x1xf32, #tpu.memory_space<vmem>>, vector<1000x1xf32>,
    return
  }
  func.func @transform_0(%arg0: i32, %arg1: i32) -> (i32, i32) {
    %c0_i32 = arith.constant 0 : i32
    %c0_i32_0 = arith.constant 0 : i32
    return %arg0, %c0_i32 : i32, i32
  }
  func.func @transform_1(%arg0: i32, %arg1: i32) -> (i32, i32) {
    %c0_i32 = arith.constant 0 : i32
    %c0_i32_0 = arith.constant 0 : i32
    return %arg0, %c0_i32 : i32, i32
  }
  func.func @transform_2(%arg0: i32, %arg1: i32) -> (i32, i32) {
    %c0_i32 = arith.constant 0 : i32
    %c0_i32_0 = arith.constant 0 : i32
    return %c0_i32, %arg1 : i32, i32
  }
  func.func @transform_3(%arg0: i32, %arg1: i32) -> (i32, i32) {
    %c0_i32 = arith.constant 0 : i32
    %c0_i32_0 = arith.constant 0 : i32
    return %arg0, %c0_i32 : i32, i32
  }
  func.func @transform_4(%arg0: i32, %arg1: i32) -> (i32, i32) {
    %c0_i32 = arith.constant 0 : i32
    %c0_i32_0 = arith.constant 0 : i32
    return %arg0, %c0_i32 : i32, i32
  }
  func.func @transform_5(%arg0: i32, %arg1: i32) -> (i32, i32) {
    %mul3A = arith.constant 10 : i32
    %mul3A_0 = arith.muli %arg1, %mul3A : i32
    %add3A = arith.addi %mul3A_0, %arg0 : i32
    %c0_i32 = arith.constant 0 : i32
    %c0_i32_1 = arith.constant 0 : i32
    return %add3A, %c0_i32 : i32, i32
  }
  func.func @transform_6(%arg0: i32, %arg1: i32) -> (i32, i32) {
    %c0_i32 = arith.constant 0 : i32
    %c0_i32_0 = arith.constant 0 : i32
    return %arg0, %c0_i32 : i32, i32
  }
}

module attributes {stable_mosaic.version = 14 : i64} {
  func.func @body(%arg0: i32, %arg1: memref<1000x128xf32, #tpu.memory_space<vmem>>, %arg2: memref<1000x128xf32, #tpu.memory_space<vmem>>, %arg3: memref<1000x1xf32, #tpu.memory_space<vmem>>, %arg4: memref<1x256xf32, #tpu.memory_space<vmem>>, %arg5: memref<256x128xf32, #tpu.memory_space<vmem>>, %arg6: memref<1000x128xf32, #tpu.memory_space<vmem>>) attributes {dimension_semantics = [#tpu.dimension_semantics<arbitrary>], iteration_bounds = array<i64: 10>, scalar_prefetch = 0 : i64, scratch_operands = 0 : i64, tpu.core_type = #tpu.core_type<tc>, window_params = [{transform_indices = @transform_0, window_bounds = array<i64: 1000, 128>}, {transform_indices = @transform_1, window_bounds = array<i64: 1000, 128>}, {transform_indices = @transform_2, window_bounds = array<i64: 1000, 1>}, {pipeline_mode = #tpu.pipeline_mode<synchronous>, transform_indices = @transform_3, window_bounds = array<i64: 1, 256>}, {pipeline_mode = #tpu.pipeline_mode<synchronous>, transform_indices = @transform_4, window_bounds = array<i64: 256, 128>}, {transform_indices = @transform_5, window_bounds = array<i64: 1000, 128>}]} {
    %get3A = arith.constant 0 : index
    %get3A_0 = arith.constant 0 : index
    %get3A_1 = vector.load %arg3[%get3A, %get3A_0] : memref<1000x1xf32, #tpu.memory_space<vmem>>, vector<1000x1xf32>
    %get3A_2 = arith.constant 0 : index
    %get3A_3 = arith.constant 0 : index
    %get3A_4 = vector.load %arg1[%get3A_2, %get3A_3] : memref<1000x128xf32, #tpu.memory_space<vmem>>, vector<1000x128xf32>
    %mul3A = vector.broadcast %get3A_1 : vector<1000x1xf32> to vector<1000x128xf32>
    %mul3A_5 = arith.mulf %get3A_4, %mul3A : vector<1000x128xf32>
    %get3A_6 = arith.constant 0 : index
    %get3A_7 = arith.constant 0 : index
    %get3A_8 = vector.load %arg4[%get3A_6, %get3A_7] : memref<1x256xf32, #tpu.memory_space<vmem>>, vector<1x128xf32>
    %add3A = vector.broadcast %get3A_8 : vector<1x128xf32> to vector<1000x128xf32>
    %add3A_9 = arith.addf %mul3A_5, %add3A : vector<1000x128xf32>
    %max3A = arith.constant 0.000000e+00 : f32
    %max3A_10 = vector.broadcast %max3A : f32 to vector<1000x128xf32>
    %max3A_11 = arith.maximumf %add3A_9, %max3A_10 : vector<1000x128xf32>
    %get3A_12 = arith.constant 0 : index
    %get3A_13 = arith.constant 0 : index
    %get3A_14 = vector.load %arg2[%get3A_12, %get3A_13] : memref<1000x128xf32, #tpu.memory_space<vmem>>, vector<1000x128xf32>
    %mul3A_15 = vector.broadcast %get3A_1 : vector<1000x1xf32> to vector<1000x128xf32>
    %mul3A_16 = arith.mulf %get3A_14, %mul3A_15 : vector<1000x128xf32>
    %get3A_17 = arith.constant 0 : index
    %get3A_18 = arith.constant 128 : index
    %get3A_19 = vector.load %arg4[%get3A_17, %get3A_18] : memref<1x256xf32, #tpu.memory_space<vmem>>, vector<1x128xf32>
    %add3A_20 = vector.broadcast %get3A_19 : vector<1x128xf32> to vector<1000x128xf32>
    %add3A_21 = arith.addf %mul3A_16, %add3A_20 : vector<1000x128xf32>
    %max3A_22 = arith.constant 0.000000e+00 : f32
    %max3A_23 = vector.broadcast %max3A_22 : f32 to vector<1000x128xf32>
    %max3A_24 = arith.maximumf %add3A_21, %max3A_23 : vector<1000x128xf32>
    %get3A_25 = arith.constant 0 : index
    %get3A_26 = arith.constant 0 : index
    %get3A_27 = vector.load %arg5[%get3A_25, %get3A_26] : memref<256x128xf32, #tpu.memory_space<vmem>>, vector<128x128xf32>
    %dot_general3A = arith.constant dense<0.000000e+00> : vector<1000x128xf32>
    %dot_general3A_28 = tpu.matmul %max3A_11, %get3A_27, %dot_general3A {dimension_numbers = #tpu.dot_dimension_numbers<[1], [0], [0], [1], [0, 0, 1, 1], [], []>, transpose_lhs_hint = false} : vector<1000x128xf32>, vector<128x128xf32>, vector<1000x128xf32> -> vector<1000x128xf32>
    %get3A_29 = arith.constant 128 : index
    %get3A_30 = arith.constant 0 : index
    %get3A_31 = vector.load %arg5[%get3A_29, %get3A_30] : memref<256x128xf32, #tpu.memory_space<vmem>>, vector<128x128xf32>
    %dot_general3A_32 = arith.constant dense<0.000000e+00> : vector<1000x128xf32>
    %dot_general3A_33 = tpu.matmul %max3A_24, %get3A_31, %dot_general3A_32 {dimension_numbers = #tpu.dot_dimension_numbers<[1], [0], [0], [1], [0, 0, 1, 1], [], []>, transpose_lhs_hint = false} : vector<1000x128xf32>, vector<128x128xf32>, vector<1000x128xf32> -> vector<1000x128xf32>
    %add3A_34 = arith.addf %dot_general3A_28, %dot_general3A_33 : vector<1000x128xf32>
    %mul3A_35 = vector.broadcast %get3A_1 : vector<1000x1xf32> to vector<1000x128xf32>
    %mul3A_36 = arith.mulf %add3A_34, %mul3A_35 : vector<1000x128xf32>
    %swap3A = arith.constant 0 : index
    %swap3A_37 = arith.constant 0 : index
    %swap3A_38 = vector.load %arg6[%swap3A, %swap3A_37] : memref<1000x128xf32, #tpu.memory_space<vmem>>, vector<1000x128xf32>
    tpu.vector_store %arg6[%swap3A, %swap3A_37], %mul3A_36 {strides = array<i32>} : memref<1000x128xf32, #tpu.memory_space<vmem>>, vector<1000x128xf32>,
    return
  }
  func.func @transform_0(%arg0: i32) -> (i32, i32) {
    %c0_i32 = arith.constant 0 : i32
    %c0_i32_0 = arith.constant 0 : i32
    return %arg0, %c0_i32 : i32, i32
  }
  func.func @transform_1(%arg0: i32) -> (i32, i32) {
    %add3A = arith.constant 10 : i32
    %add3A_0 = arith.addi %add3A, %arg0 : i32
    %c0_i32 = arith.constant 0 : i32
    %c0_i32_1 = arith.constant 0 : i32
    return %add3A_0, %c0_i32 : i32, i32
  }
  func.func @transform_2(%arg0: i32) -> (i32, i32) {
    %c0_i32 = arith.constant 0 : i32
    %c0_i32_0 = arith.constant 0 : i32
    return %arg0, %c0_i32 : i32, i32
  }
  func.func @transform_3(%arg0: i32) -> (i32, i32) {
    %c0_i32 = arith.constant 0 : i32
    %c0_i32_0 = arith.constant 0 : i32
    %c0_i32_1 = arith.constant 0 : i32
    return %c0_i32, %c0_i32_0 : i32, i32
  }
  func.func @transform_4(%arg0: i32) -> (i32, i32) {
    %c0_i32 = arith.constant 0 : i32
    %c0_i32_0 = arith.constant 0 : i32
    %c0_i32_1 = arith.constant 0 : i32
    return %c0_i32, %c0_i32_0 : i32, i32
  }
  func.func @transform_5(%arg0: i32) -> (i32, i32) {
    %c0_i32 = arith.constant 0 : i32
    %c0_i32_0 = arith.constant 0 : i32
    return %arg0, %c0_i32 : i32, i32
  }
}

module attributes {stable_mosaic.version = 14 : i64} {
  func.func @body(%arg0: i32, %arg1: memref<1000x128xf32, #tpu.memory_space<vmem>>, %arg2: memref<1000x128xf32, #tpu.memory_space<vmem>>, %arg3: memref<1000x128xf32, #tpu.memory_space<vmem>>, %arg4: memref<1000x1xf32, #tpu.memory_space<vmem>>, %arg5: memref<1x128xf32, #tpu.memory_space<vmem>>, %arg6: memref<1000x128xf32, #tpu.memory_space<vmem>>) attributes {dimension_semantics = [#tpu.dimension_semantics<arbitrary>], iteration_bounds = array<i64: 10>, scalar_prefetch = 0 : i64, scratch_operands = 0 : i64, tpu.core_type = #tpu.core_type<tc>, window_params = [{transform_indices = @transform_0, window_bounds = array<i64: 1000, 128>}, {transform_indices = @transform_1, window_bounds = array<i64: 1000, 128>}, {transform_indices = @transform_2, window_bounds = array<i64: 1000, 128>}, {transform_indices = @transform_3, window_bounds = array<i64: 1000, 1>}, {pipeline_mode = #tpu.pipeline_mode<synchronous>, transform_indices = @transform_4, window_bounds = array<i64: 1, 128>}, {transform_indices = @transform_5, window_bounds = array<i64: 1000, 128>}]} {
    %get3A = arith.constant 0 : index
    %get3A_0 = arith.constant 0 : index
    %get3A_1 = vector.load %arg4[%get3A, %get3A_0] : memref<1000x1xf32, #tpu.memory_space<vmem>>, vector<1000x1xf32>
    %get3A_2 = arith.constant 0 : index
    %get3A_3 = arith.constant 0 : index
    %get3A_4 = vector.load %arg1[%get3A_2, %get3A_3] : memref<1000x128xf32, #tpu.memory_space<vmem>>, vector<1000x128xf32>
    %get3A_5 = arith.constant 0 : index
    %get3A_6 = arith.constant 0 : index
    %get3A_7 = vector.load %arg2[%get3A_5, %get3A_6] : memref<1000x128xf32, #tpu.memory_space<vmem>>, vector<1000x128xf32>
    %add3A = arith.addf %get3A_4, %get3A_7 : vector<1000x128xf32>
    %get3A_8 = arith.constant 0 : index
    %get3A_9 = arith.constant 0 : index
    %get3A_10 = vector.load %arg3[%get3A_8, %get3A_9] : memref<1000x128xf32, #tpu.memory_space<vmem>>, vector<1000x128xf32>
    %sub3A = arith.subf %add3A, %get3A_10 : vector<1000x128xf32>
    %mul3A = vector.broadcast %get3A_1 : vector<1000x1xf32> to vector<1000x128xf32>
    %mul3A_11 = arith.mulf %sub3A, %mul3A : vector<1000x128xf32>
    %get3A_12 = arith.constant 0 : index
    %get3A_13 = arith.constant 0 : index
    %get3A_14 = vector.load %arg5[%get3A_12, %get3A_13] : memref<1x128xf32, #tpu.memory_space<vmem>>, vector<1x128xf32>
    %add3A_15 = vector.broadcast %get3A_14 : vector<1x128xf32> to vector<1000x128xf32>
    %add3A_16 = arith.addf %mul3A_11, %add3A_15 : vector<1000x128xf32>
    %swap3A = arith.constant 0 : index
    %swap3A_17 = arith.constant 0 : index
    %swap3A_18 = vector.load %arg6[%swap3A, %swap3A_17] : memref<1000x128xf32, #tpu.memory_space<vmem>>, vector<1000x128xf32>
    tpu.vector_store %arg6[%swap3A, %swap3A_17], %add3A_16 {strides = array<i32>} : memref<1000x128xf32, #tpu.memory_space<vmem>>, vector<1000x128xf32>,
    return
  }
  func.func @transform_0(%arg0: i32) -> (i32, i32) {
    %c0_i32 = arith.constant 0 : i32
    %c0_i32_0 = arith.constant 0 : i32
    return %arg0, %c0_i32 : i32, i32
  }
  func.func @transform_1(%arg0: i32) -> (i32, i32) {
    %add3A = arith.constant 10 : i32
    %add3A_0 = arith.addi %add3A, %arg0 : i32
    %c0_i32 = arith.constant 0 : i32
    %c0_i32_1 = arith.constant 0 : i32
    return %add3A_0, %c0_i32 : i32, i32
  }
  func.func @transform_2(%arg0: i32) -> (i32, i32) {
    %c0_i32 = arith.constant 0 : i32
    %c0_i32_0 = arith.constant 0 : i32
    return %arg0, %c0_i32 : i32, i32
  }
  func.func @transform_3(%arg0: i32) -> (i32, i32) {
    %c0_i32 = arith.constant 0 : i32
    %c0_i32_0 = arith.constant 0 : i32
    return %arg0, %c0_i32 : i32, i32
  }
  func.func @transform_4(%arg0: i32) -> (i32, i32) {
    %c0_i32 = arith.constant 0 : i32
    %c0_i32_0 = arith.constant 0 : i32
    %c0_i32_1 = arith.constant 0 : i32
    return %c0_i32, %c0_i32_0 : i32, i32
  }
  func.func @transform_5(%arg0: i32) -> (i32, i32) {
    %c0_i32 = arith.constant 0 : i32
    %c0_i32_0 = arith.constant 0 : i32
    return %arg0, %c0_i32 : i32, i32
  }
}

</mosaic_0001>

<sc_bundles>
// kernel: kernel.11.cloned.1.call-start
scs
__scs_entry_jumppad:
0x0: {  	(pc) =	sbr.rel $0x88, $3  }
0x1: {  	(tag) =	ssettag $0x0;
	lr =	simm.s32 $0x1  }
0x2: {  	[smem:$0x3F9A] =	sst lr;
	_ =	strace $0xD0000000  }
0x3: {  	_ = 	snop  }
0x4: {  	_ = 	snop  }
0x5: {  	_ = 	snop  }
0x6: {  	_ = 	snop  }
0x7: {  	_ = 	snop  }
__scs_overlays_trampoline_lowered:
0x8: {  	[smem:$0x3FA9] =	sst s0  }
0x9: {  	[smem:$0x3FAA] =	sst s1  }
0xa: {  	[smem:$0x3FAB] =	sst s2  }
0xb: {  	[smem:$0x3FAC] =	sst s3  }
0xc: {  	[smem:$0x3FAD] =	sst s4  }
0xd: {  	[smem:$0x3FAE] =	sst s5  }
0xe: {  	[smem:$0x3FAF] =	sst s6  }
0xf: {  	[smem:$0x3FB0] =	sst s7  }
0x10: {  	[smem:$0x3FB1] =	sst s8  }
0x11: {  	[smem:$0x3FB2] =	sst s9;
	s0 =	simm.s32 @!p0 $0x0  }
0x12: {  	s1 =	sld [smem:$0x3F98];
	s0 =	simm.s32 @p0 $0x1  }
0x13: {  	[smem:$0x3FB3] =	sst s0;
	s0 =	simm.s32 @!p1 $0x0  }
0x14: {  	s2 =	sld [smem:$0x3F97];
	s0 =	simm.s32 @p1 $0x1  }
0x15: {  	[smem:$0x3FB4] =	sst s0;
	s0 =	simm.s32 @!p2 $0x0  }
0x16: {  	s3 =	sld [smem:$0x3FDB];
	s0 =	simm.s32 @p2 $0x1  }
0x17: {  	s4 =	simm.s32 $0x1BF5;
	[smem:$0x3FB6] =	sst s0  }
0x18: {  	s0 =	sld [smem:$0x3F99];
	_ =	swait.ge [sflag:s4], $0x0  }
0x19: {  	s7 =	sld [smem:$0x3F9A]  }
0x1a: {  	s8 =	sadd.s32 $0xFFFFE003, lr  }
0x1b: {  	s9 =	sadd.s32 $0xFFFFFEF7, lr;
	s5 =	simm.s32 $0xFFFFFFFF;
	p2 =	slt.u32 s8, $0xFFFFF086  }
0x1c: {  	p1 =	slt.u32 s9, $0xF7A;
	s5 =	simm.s32 @!p2 $0x0  }
0x1d: {  	s5 =	simm.s32 @p1 $0x1;
	p0 =	seq.s32 s7, s2  }
0x1e: {  	s7 =	smul.u32 @!p0 $0xF7A, s2;
	p2 =	seq.s32 @!p0 s5, $0x0  }
0x1f: {  	s9 =	smul.u32 $0xF7A, s1;
	s8 =	simm.s32 @!p0 $0x1BF5;
	p2 =	por !p2, p0  }
0x20: {  	[sflag:s8] =	ssyncset.s32 @!p0 $0xFFFFF086;
	s6 =	sadd.s32 @!p0 s3, s7;
	s7 =	simm.s32 @!p0 $0x108  }
0x21: {  	s3 =	sadd.s32 s3, s9;
	s6 =	sadd.s32 @!p0 $0x88, s6;
	s7 =	simm.s32 @p2 $0x1082  }
0x22: {  	[simem:s7], [sflag:s8] =	dma.local @!p0 [hbm:s6], $0xF7A  }
0x23: {  	s9 =	sor.u32 $0xD0000000, s2;
	s6 =	simm.s32 $0x108;
	_ =	swait.ge @!p0 [sflag:s8], $0x0  }
0x24: {  	s3 =	sadd.s32 $0x88, s3;
	s6 =	simm.s32 @!p1 $0x1082;
	[sflag:s4] =	ssyncset.s32 $0xFFFFF086  }
0x25: {  	[simem:s6], [sflag:s4] =	dma.local [hbm:s3], $0xF7A  }
0x26: {  	[smem:$0x3F9A] =	sst s1;
	(tag) =	ssettag s2;
	_ =	strace s9  }
0x27: {  	s1 =	sld [smem:$0x3FAA]  }
0x28: {  	s2 =	sld [smem:$0x3FAB]  }
0x29: {  	s4 =	sld [smem:$0x3FAD]  }
0x2a: {  	p0 =	seq.s32 s5, $0x0;
	s5 =	sld [smem:$0x3FAE]  }
0x2b: {  	s6 =	sld [smem:$0x3FAF]  }
0x2c: {  	s7 =	sld [smem:$0x3FB0]  }
0x2d: {  	s3 =	simm.s32 $0x108;
	s8 =	sld [smem:$0x3FB1]  }
0x2e: {  	s3 =	simm.s32 @!p0 $0x1082;
	s9 =	sld [smem:$0x3FB2]  }
0x2f: {  	lr =	sadd.s32 s0, s3;
	s0 =	sld [smem:$0x3FA9]  }
0x30: {  	s3 =	sld [smem:$0x3FAC]  }
0x31: {  	[smem:$0x3FB5] =	sst s10  }
0x32: {  	s10 =	sld [smem:$0x3FB3];
	_ =	sdelay $0x3  }
0x33: {  	p0 =	seq.s32 s10, $0x1;
	s10 =	sld [smem:$0x3FB5];
	_ =	sdelay $0x3  }
0x34: {  	[smem:$0x3FB5] =	sst s10  }
0x35: {  	s10 =	sld [smem:$0x3FB4];
	_ =	sdelay $0x3  }
0x36: {  	p1 =	seq.s32 s10, $0x1;
	s10 =	sld [smem:$0x3FB5];
	_ =	sdelay $0x3  }
0x37: {  	[smem:$0x3FB5] =	sst s10  }
0x38: {  	s10 =	sld [smem:$0x3FB6]  }
0x39: {  	_ = 	snop;
	(pc) =	sbr.ind lr, $3  }
0x3a: {  	_ = 	snop  }
0x3b: {  	_ = 	snop  }
0x3c: {  	p2 =	seq.s32 s10, $0x1;
	s10 =	sld [smem:$0x3FB5]  }
0x3d: {  	_ =	shalt  }
0x3e: {  	_ =	shalt  }
0x3f: {  	_ =	shalt  }
0x40: {  	_ =	shalt  }
0x41: {  	_ =	shalt  }
0x42: {  	_ =	shalt  }
0x43: {  	_ =	shalt  }
0x44: {  	_ =	shalt  }
0x45: {  	_ =	shalt  }
0x46: {  	_ =	shalt  }
0x47: {  	_ =	shalt  }
0x48: {  	_ =	shalt  }
0x49: {  	_ =	shalt  }
0x4a: {  	_ =	shalt  }
0x4b: {  	_ =	shalt  }
0x4c: {  	_ =	shalt  }
0x4d: {  	_ =	shalt  }
0x4e: {  	_ =	shalt  }
0x4f: {  	_ =	shalt  }
0x50: {  	_ =	shalt  }
0x51: {  	_ =	shalt  }
0x52: {  	_ =	shalt  }
0x53: {  	_ =	shalt  }
0x54: {  	_ =	shalt  }
0x55: {  	_ =	shalt  }
0x56: {  	_ =	shalt  }
0x57: {  	_ =	shalt  }
0x58: {  	_ =	shalt  }
0x59: {  	_ =	shalt  }
0x5a: {  	_ =	shalt  }
0x5b: {  	_ =	shalt  }
0x5c: {  	_ =	shalt  }
0x5d: {  	_ =	shalt  }
0x5e: {  	_ =	shalt  }
0x5f: {  	_ =	shalt  }
0x60: {  	_ =	shalt  }
0x61: {  	_ =	shalt  }
0x62: {  	_ =	shalt  }
0x63: {  	_ =	shalt  }
0x64: {  	_ =	shalt  }
0x65: {  	_ =	shalt  }
0x66: {  	_ =	shalt  }
0x67: {  	_ =	shalt  }
0x68: {  	_ =	shalt  }
0x69: {  	_ =	shalt  }
0x6a: {  	_ =	shalt  }
0x6b: {  	_ =	shalt  }
0x6c: {  	_ =	shalt  }
0x6d: {  	_ =	shalt  }
0x6e: {  	_ =	shalt  }
0x6f: {  	_ =	shalt  }
0x70: {  	_ =	shalt  }
0x71: {  	_ =	shalt  }
0x72: {  	_ =	shalt  }
0x73: {  	_ =	shalt  }
0x74: {  	_ =	shalt  }
0x75: {  	_ =	shalt  }
0x76: {  	_ =	shalt  }
0x77: {  	_ =	shalt  }
0x78: {  	_ =	shalt  }
0x79: {  	_ =	shalt  }
0x7a: {  	_ =	shalt  }
0x7b: {  	_ =	shalt  }
0x7c: {  	_ =	shalt  }
0x7d: {  	_ =	shalt  }
0x7e: {  	_ =	shalt  }
0x7f: {  	_ =	shalt  }
0x80: {  	_ =	shalt  }
0x81: {  	_ =	shalt  }
0x82: {  	_ =	shalt  }
0x83: {  	_ =	shalt  }
0x84: {  	_ =	shalt  }
0x85: {  	_ =	shalt  }
0x86: {  	_ =	shalt  }
0x87: {  	_ =	shalt  }
.Lfunc_end0:
.L_simem_size_0:
called_computation.1_lowered:
.L_overlay_start_0:
0x88: {  	s2 =	sld [smem:$0x3FD9]  }
0x89: {  	s3 =	sld [smem:$0x3FFE];
	_ =	sdelay $0x1  }
0x8a: {  	s1 =	srdreg.scid  }
0x8b: {  	s0 =	sand.u32 $0x1, s1  }
0x8c: {  	s17 =	sshll.u32 s0, $0xA;
	s2 =	sadd.s32 s3, s2  }
0x8d: {  	s2 =	sadd.s32 s2, s17  }
0x8e: {  	[smem:$0x3FC1] =	sst s2  }
0x8f: {  	_ = 	snop  }
0x90: {  	s2 =	sld [smem:$0x3FD0];
	(tm) =	ssettm $0x1  }
0x91: {  	s18 =	sld [smem:$0x3FFB];
	_ =	sdelay $0x3  }
0x92: {  	_ =	strace s18  }
0x93: {  	s3 =	sld [smem:$0x3FFC];
	_ =	sdelay $0x3  }
0x94: {  	_ =	strace s3  }
0x95: {  	s3 =	sld [smem:$0x3FFD];
	_ =	sdelay $0x3  }
0x96: {  	_ =	strace s3  }
0x97: {  	_ =	strace $0x8FFFFFFF  }
0x98: {  	s19 =	sld [smem:$0x3FDB];
	_ =	sdelay $0x1  }
0x99: {  	s4 =	simm.s32 $_scs_section_size  }
0x9a: {  	s5 =	simm.s32 $_size__tile_overlayer_lowered;
	s6 =	simm.s32 $_tile_overlayer_lowered  }
0x9b: {  	s22 =	simm.s32 $0x1BFF;
	s21 =	sshll.u32 s6, $0x1;
	s3 =	sadd.s32 s4, s19  }
0x9c: {  	s7 =	simm.s32 $0x0;
	s20 =	sshll.u32 s5, $0x1;
	s5 =	sadd.s32 s21, s3  }
0x9d: {  	[timem:s7], [sflag:s22] =	dma.local [hbm:s5], s20  }
0x9e: {  	_ =	swait.ge [sflag:s22], s20  }
0x9f: {  	s4 =	ssub.s32 $0x0, s20;
	[sflag:s22] =	ssyncset.done $0x0  }
0xa0: {  	[sflag:s22] =	ssyncadd.s32 s4;
	_ =	sdelay $0x1  }
0xa1: {  	s23 =	simm.s32 $0x1B8B  }
0xa2: {  	_ =	swait.ge [sflag:s23], $0x1  }
0xa3: {  	[sflag:s23] =	ssyncset.done $0x0  }
0xa4: {  	s25 =	simm.s32 $0x1B8E;
	s24 =	sld [smem:$0x3FFE];
	[sflag:s23] =	ssyncadd.s32 $0xFFFFFFFF  }
0xa5: {  	s26 =	simm.s32 $execute0_lowered;
	[smem:$0x3FD2] =	sst s25  }
0xa6: {  	s5 =	sshll.u32 s26, $0x1;
	_ =	strace $0x80000049;
	[dreg:$0x1] =	wrdreg $0xFFFFFFFF  }
0xa7: {  	s28 =	simm.s32 $_size_execute0_lowered;
	s3 =	sadd.s32 s3, s5;
	[dreg:$0x0] =	wrdreg $0x0  }
0xa8: {  	s5 =	sshll.u32 s28, $0x1;
	[dreg:$0x2] =	wrdreg s3  }
0xa9: {  	[dreg:$0x3] =	wrdreg s5  }
0xaa: {  	[dreg:$0x4] =	wrdreg $0xC0  }
0xab: {  	_ =	task [dreg:s7], $0x5FFFF  }
0xac: {  	[dreg:$0x1] =	wrdreg $0xFFFFFFFF  }
0xad: {  	[dreg:$0x0] =	wrdreg $0x60  }
0xae: {  	[dreg:$0x2] =	wrdreg s24  }
0xaf: {  	[dreg:$0x3] =	wrdreg s2  }
0xb0: {  	[dreg:$0x4] =	wrdreg $0x0  }
0xb1: {  	[dreg:$0x5] =	wrdreg $0x9  }
0xb2: {  	_ =	task.clear_ibuf [dreg:s7], $0x6FFFF;
	_ =	strace $0x90000049  }
0xb3: {  	s29 =	simm.s32 $0x9;
	_ =	strace $0x8000004B  }
0xb4: {  	_ =	swait.ge [sflag:s29], $0x1  }
0xb5: {  	[sflag:s29] =	ssyncadd.s32 $0xFFFFFFFF  }
0xb6: {  	_ =	strace $0x9000004B  }
0xb7: {  	_ =	sfence  }
0xb8: {  	s30 =	sld [smem:$0x0];
	_ =	sdelay $0x2  }
0xb9: {  	s31 =	sshll.u32 s1, $0xD;
	s1 =	sshrl.u32 s1, $0x2  }
0xba: {  	s3 =	sand.u32 $0x4000, s31;
	s1 =	sadd.s32 s1, s30  }
0xbb: {  	s0 =	sor.u32 s3, s0;
	s1 =	sshll.u32 s1, $0x11  }
0xbc: {  	s0 =	sor.u32 s1, s0  }
0xbd: {  	s0 =	sadd.s32 $0x8F2B, s0  }
0xbe: {  	[sflag:s0] =	ssyncadd.remote.s32 $0x1  }
0xbf: {  	_ =	sfence.sel $0xFFFF  }
0xc0: {  	[dreg:$0x0] =	wrdreg $0xFFFFFFFF;
	(pc) =	sbr.abs _section_cstart, $3  }
0xc1: {  	[dreg:$0x1] =	wrdreg $0xFFFFFFFF  }
0xc2: {  	_ =	task.clear_ibuf [dreg:s7], $0x2FFFF;
	_ =	strace $0x9FFFFFFF  }
0xc3: {  	(tm) =	ssettm $0x7FFFFFFF  }
tec
execute0_lowered:
.L_overlay_start_1:
0x0: {  	(tag) =	ssettag $0x1  }
0x1: {  	s5 =	rddreg [dreg:$0x0]  }
0x2: {  	s6 =	rddreg [dreg:$0x1]  }
0x3: {  	s2 =	rddreg [dreg:$0x2]  }
0x4: {  	s0 =	rddreg [dreg:$0x3];
	s3 =	simm.s32 $0x0;
	s1 =	stileid.u32  }
0x5: {  	s4 =	srdreg.scid;
	s18 =	simm.s32 $0x50;
	s19 =	simm.s32 $0x18780  }
0x6: {  	s20 =	simm.s32 $0x1AF80;
	s21 =	simm.s32 $0x1;
	s22 =	simm.s32 $0x2  }
0x7: {  	s23 =	simm.s32 $0x186C0;
	s24 =	simm.s32 $0x0;
	s7 =	smul.u32 $0x2710, s1  }
0x8: {  	[smem:$0x7FF] =	sst s3;
	s8 =	sand.u32 $0x1, s4;
	s9 =	smul.u32 $0x278, s1  }
0x9: {  	s4 =	sadd.s32 $0xBA00, s5;
	s12 =	sadd.s32 $0x59C00, s5;
	s29 =	smul.u32 $0x4F000, s1  }
0xa: {  	s15 =	sadd.s32 $0x128400, s2;
	p0 =	seq.s32 s1, $0xF;
	s11 =	smul.u32 $0x27100, s8  }
0xb: {  	_ =	strace $0x8000004A;
	s13 =	smul.u32 $0x2710, s8;
	s28 =	ssub.s32 $0x2, s8  }
0xc: {  	s8 =	smul.u32 $0x138800, s8;
	s15 =	sshrl.u32 @p0 s15, $0x3;
	s16 =	sshll.u32 @!p0 s1, $0x6  }
0xd: {  	s10 =	sshrl.u32 s7, $0x3;
	s14 =	sshrl.u32 s28, $0x1;
	s30 =	sshrl.u32 s29, $0x2  }
0xe: {  	s16 =	sor.u32 @!p0 $0x1C03, s16;
	s10 =	sadd.s32 s10, s5;
	s7 =	sadd.s32 s7, s11  }
0xf: {  	s14 =	ssub.s32 s28, s14;
	s9 =	sadd.s32 s9, s13;
	s8 =	sshrl.u32 s8, $0x3  }
0x10: {  	s17 =	sadd.s32 s30, s2;
	s13 =	simm.s32 $0x3;
	s7 =	sshrl.u32 s7, $0x3  }
0x11: {  	s9 =	sshll.u32 s9, $0x4;
	s31 =	sadd.s32 $0x25080, s8;
	s11 =	smax.u32 s14, $0x1  }
0x12: {  	s14 =	simm.s32 $0x16000;
	s17 =	sshrl.u32 @!p0 s17, $0x3;
	s5 =	sadd.s32 s6, s7  }
0x13: {  	s6 =	sadd.s32 $0x1A00, s10;
	s7 =	sadd.s32 s4, s9;
	s8 =	sadd.s32 s4, s31  }
0x14: {  	s9 =	sadd.s32 s12, s9;
	s10 =	sadd.s32 s12, s31;
	s12 =	simm.s32 $0x13880  }
.LBB2_1:
0x15: {  	[tilespmem:s12], [sflag:$0x3] =	stream.linear.gather [hbm4b:s5+s3], $0x2710, $0x38;
	[tilespmem:$0x1D780] =	vst v63  }
0x16: {  	_ =	swait.ge [sflag:s13], $0x2710  }
0x17: {  	[sflag:s13] =	ssyncset.done $0x0  }
0x18: {  	[sflag:s13] =	ssyncadd.s32 $0xFFFFD8F0  }
0x19: {  	[tilespmem:s14], [sflag:$0x3] =	stream.linear.gather [hbm4b:s6+s3], $0x2710, $0x38;
	[tilespmem:$0x1D780] =	vst v63  }
0x1a: {  	_ =	swait.ge [sflag:s13], $0x2710  }
0x1b: {  	[sflag:s13] =	ssyncset.done $0x0  }
0x1c: {  	s25 =	simm.s32 @p0 $0x1FC3;
	[sflag:s13] =	ssyncadd.s32 $0xFFFFD8F0  }
0x1d: {  	[spmem:s15], [sflag:s25] =	dma.local @p0 [hbm:s8], $0x2080  }
0x1e: {  	s25 =	simm.s32 @p0 $0x3  }
0x1f: {  	_ =	swait.ge @p0 [sflag:s25], $0x2080  }
0x20: {  	[sflag:s25] =	ssyncset.done @p0 $0x0  }
0x21: {  	[sflag:s25] =	ssyncadd.s32 @p0 $0xFFFFDF80;
	s25 =	simm.s32 @!p0 $0x3  }
0x22: {  	[spmem:s17], [sflag:s16] =	dma.local @!p0 [hbm:s7], $0x2780  }
0x23: {  	_ =	swait.ge @!p0 [sflag:s25], $0x2780  }
0x24: {  	[sflag:s25] =	ssyncset.done @!p0 $0x0  }
0x25: {  	[sflag:s25] =	ssyncadd.s32 @!p0 $0xFFFFD880  }
0x26: {  	[bflag:$0x0] =	sbarrier.arrive $0xFFFF  }
0x27: {  	[tilespmem:s19], [sflag:$0x1] =	stream.indirect.gather [hbm4b:s4+s18], $0x80, s12, s18, $0xb8;
	[tilespmem:$0x1D780] =	vst v63  }
0x28: {  	s28 =	simm.s32 $0x138D0  }
0x29: {  	[tilespmem:s20], [sflag:$0x2] =	stream.indirect.gather [hbm4b:s4+s18], $0x80, s28, s18, $0xb8;
	[tilespmem:$0x1D780] =	vst v63  }
0x2a: {  	_ =	swait.ge [sflag:s21], $0x2800  }
0x2b: {  	[sflag:s21] =	ssyncset.done $0x0  }
0x2c: {  	s29 =	simm.s32 $0x16000;
	[sflag:s21] =	ssyncadd.s32 $0xFFFFD800  }
0x2d: {  	[spmem:s2] =	stream.indirect.scatter.add.f32 [tilespmem:s19], [sflag:$0x3], $0x80, s29, s18, $0xb8;
	[tilespmem:$0x1D780] =	vst v63  }
0x2e: {  	_ =	swait.ge [sflag:s13], $0x2800  }
0x2f: {  	[sflag:s13] =	ssyncset.done $0x0  }
0x30: {  	s30 =	simm.s32 $0x13920;
	[sflag:s13] =	ssyncadd.s32 $0xFFFFD800  }
0x31: {  	[tilespmem:s19], [sflag:$0x1] =	stream.indirect.gather [hbm4b:s4+s18], $0x80, s30, s18, $0xb8;
	[tilespmem:$0x1D780] =	vst v63  }
0x32: {  	_ =	swait.ge [sflag:s22], $0x2800  }
0x33: {  	[sflag:s22] =	ssyncset.done $0x0  }
0x34: {  	s31 =	simm.s32 $0x16050;
	[sflag:s22] =	ssyncadd.s32 $0xFFFFD800  }
0x35: {  	[spmem:s2] =	stream.indirect.scatter.add.f32 [tilespmem:s20], [sflag:$0x3], $0x80, s31, s18, $0xb8;
	[tilespmem:$0x1D780] =	vst v63  }
0x36: {  	_ =	swait.ge [sflag:s13], $0x2800  }
0x37: {  	s26 =	simm.s32 $0x500;
	s25 =	simm.s32 $0xA0;
	[sflag:s13] =	ssyncset.done $0x0  }
.LBB2_2:
0x38: {  	s28 =	sadd.s32 $0x138D0, s25  }
0x39: {  	[sflag:s13] =	ssyncadd.s32 $0xFFFFD800;
	s29 =	smov.u32 s26;
	s30 =	sadd.s32 $0x280, s26  }
0x3a: {  	[tilespmem:s20], [sflag:$0x2] =	stream.indirect.gather [hbm4b:s4+s18], $0x80, s28, s18, $0xb8;
	[tilespmem:$0x1D780] =	vst v63  }
0x3b: {  	p1 =	sne.s32 s26, $0x9880;
	_ =	swait.ge [sflag:s21], $0x2800  }
0x3c: {  	[sflag:s21] =	ssyncset.done $0x0  }
0x3d: {  	s26 =	sadd.s32 $0x16000, s25;
	[sflag:s21] =	ssyncadd.s32 $0xFFFFD800  }
0x3e: {  	[spmem:s2] =	stream.indirect.scatter.add.f32 [tilespmem:s19], [sflag:$0x3], $0x80, s26, s18, $0xb8;
	[tilespmem:$0x1D780] =	vst v63  }
0x3f: {  	_ =	swait.ge [sflag:s13], $0x2800  }
0x40: {  	[sflag:s13] =	ssyncset.done $0x0  }
0x41: {  	s26 =	sadd.s32 $0x13920, s25;
	[sflag:s13] =	ssyncadd.s32 $0xFFFFD800  }
0x42: {  	[tilespmem:s19], [sflag:$0x1] =	stream.indirect.gather [hbm4b:s4+s18], $0x80, s26, s18, $0xb8;
	[tilespmem:$0x1D780] =	vst v63  }
0x43: {  	_ =	swait.ge [sflag:s22], $0x2800  }
.Ltmp0:
0x44: {  	[sflag:s22] =	ssyncset.done $0x0;
	(pc) =	sbr.rel @p1 .LBB2_2-.Ltmp0, $4  }
0x45: {  	s25 =	sadd.s32 $0x16050, s25;
	[sflag:s22] =	ssyncadd.s32 $0xFFFFD800  }
0x46: {  	[spmem:s2] =	stream.indirect.scatter.add.f32 [tilespmem:s20], [sflag:$0x3], $0x80, s25, s18, $0xb8;
	[tilespmem:$0x1D780] =	vst v63  }
0x47: {  	_ =	swait.ge [sflag:s13], $0x2800  }
0x48: {  	s26 =	smov.u32 s30;
	s25 =	sshra.s32 s29, $0x2;
	[sflag:s13] =	ssyncset.done $0x0  }
0x49: {  	s26 =	sadd.s32 $0x138D0, s25;
	[sflag:s13] =	ssyncadd.s32 $0xFFFFD800  }
0x4a: {  	[tilespmem:s20], [sflag:$0x2] =	stream.indirect.gather [hbm4b:s4+s18], $0x80, s26, s18, $0xb8;
	[tilespmem:$0x1D780] =	vst v63  }
0x4b: {  	_ =	swait.ge [sflag:s21], $0x2800  }
0x4c: {  	[sflag:s21] =	ssyncset.done $0x0  }
0x4d: {  	s29 =	sadd.s32 $0x16000, s25;
	[sflag:s21] =	ssyncadd.s32 $0xFFFFD800  }
0x4e: {  	[spmem:s2] =	stream.indirect.scatter.add.f32 [tilespmem:s19], [sflag:$0x3], $0x80, s29, s18, $0xb8;
	[tilespmem:$0x1D780] =	vst v63  }
0x4f: {  	_ =	swait.ge [sflag:s13], $0x2800  }
0x50: {  	[sflag:s13] =	ssyncset.done $0x0  }
0x51: {  	s30 =	sadd.s32 $0x13920, s25;
	[sflag:s13] =	ssyncadd.s32 $0xFFFFD800  }
0x52: {  	[tilespmem:s19], [sflag:$0x1] =	stream.indirect.gather [hbm4b:s4+s18], $0x80, s30, s18, $0xb8;
	[tilespmem:$0x1D780] =	vst v63  }
0x53: {  	_ =	swait.ge [sflag:s22], $0x2800  }
0x54: {  	[sflag:s22] =	ssyncset.done $0x0  }
0x55: {  	s31 =	sadd.s32 $0x16050, s25;
	[sflag:s22] =	ssyncadd.s32 $0xFFFFD800  }
0x56: {  	[spmem:s2] =	stream.indirect.scatter.add.f32 [tilespmem:s20], [sflag:$0x3], $0x80, s31, s18, $0xb8;
	[tilespmem:$0x1D780] =	vst v63  }
0x57: {  	_ =	swait.ge [sflag:s13], $0x2800  }
0x58: {  	[sflag:s13] =	ssyncset.done $0x0  }
0x59: {  	[sflag:s13] =	ssyncadd.s32 $0xFFFFD800  }
0x5a: {  	_ =	swait.ge [sflag:s21], $0x2800  }
0x5b: {  	[sflag:s21] =	ssyncset.done $0x0  }
0x5c: {  	[sflag:s21] =	ssyncadd.s32 $0xFFFFD800  }
0x5d: {  	[spmem:s2] =	stream.indirect.scatter.add.f32 [tilespmem:s19], [sflag:$0x3], $0x80, s23, s18, $0xb8;
	[tilespmem:$0x1D780] =	vst v63  }
0x5e: {  	_ =	swait.ge [sflag:s13], $0x2800  }
0x5f: {  	[sflag:s13] =	ssyncset.done $0x0  }
0x60: {  	[sflag:s13] =	ssyncadd.s32 $0xFFFFD800  }
0x61: {  	s25 =	simm.s32 @p0 $0x1FC3;
	[bflag:$0x0] =	sbarrier.arrive $0xFFFF  }
0x62: {  	[hbm:s10], [sflag:s25] =	dma.local @p0 [spmem:s15], $0x2080  }
0x63: {  	s25 =	simm.s32 @p0 $0x3  }
0x64: {  	s24 =	sadd.s32 $0x1, s24;
	_ =	swait.ge @p0 [sflag:s25], $0x2080  }
0x65: {  	p1 =	sne.s32 s24, s11;
	[sflag:s25] =	ssyncset.done @p0 $0x0  }
.Ltmp1:
0x66: {  	[sflag:s25] =	ssyncadd.s32 @p0 $0xFFFFDF80;
	s25 =	simm.s32 @!p0 $0x3;
	(pc) =	sbr.rel @p1 .LBB2_1-.Ltmp1, $4  }
0x67: {  	[hbm:s9], [sflag:s16] =	dma.local @!p0 [spmem:s17], $0x2780  }
0x68: {  	_ =	swait.ge @!p0 [sflag:s25], $0x2780  }
0x69: {  	[sflag:s25] =	ssyncset.done @!p0 $0x0  }
0x6a: {  	[sflag:s25] =	ssyncadd.s32 @!p0 $0xFFFFD880  }
0x6b: {  	_ =	sfence.sel $0x180000  }
0x6c: {  	[bflag:$0x0] =	sbarrier.arrive $0xFFFF  }
0x6d: {  	p0 =	sne.s32 s1, $0x0;
	_ =	strace $0x9000004A  }
0x6e: {  	s0 =	sadd.s32 @!p0 $0x100000, s0;
	[bflag:$0x2] =	sbarrier.arrive $0xFFFF  }
0x6f: {  	[sflag:s0] =	ssyncadd.tile.s32 @!p0 $0x1;
	_ =	shalt  }
.Lfunc_end2:
_tile_overlayer_lowered:
.L_overlay_start_2:
0x70: {  	(tag) =	ssettag $0x2  }
0x71: {  	s0 =	rddreg [dreg:$0x0];
	s2 =	stileid.u32  }
0x72: {  	s1 =	rddreg [dreg:$0x1];
	p0 =	sne.s32 s2, $0x0  }
0x73: {  	s3 =	rddreg [dreg:$0x2];
	[bflag:$0x3] =	sbarrier.arrive $0xFFFF;
	s2 =	simm.s32 @!p0 $0x1C03  }
0x74: {  	[timem:s3], [sflag:s2] =	dma.local @!p0 [hbm:s0], s1  }
0x75: {  	s0 =	simm.s32 @!p0 $0x3  }
0x76: {  	_ =	swait.ge @!p0 [sflag:s0], s1  }
0x77: {  	s1 =	ssub.s32 @!p0 $0x0, s1;
	[sflag:s0] =	ssyncset.done @!p0 $0x0  }
0x78: {  	[sflag:s0] =	ssyncadd.s32 @!p0 s1  }
0x79: {  	[bflag:$0x3] =	sbarrier.arrive $0xFFFF  }
0x7a: {  	_ =	shalt  }

// kernel: kernel.14.cloned.1.call-start
scs
__scs_entry_jumppad:
0x0: {  	(pc) =	sbr.rel $0x88, $3  }
0x1: {  	(tag) =	ssettag $0x0;
	lr =	simm.s32 $0x1  }
0x2: {  	[smem:$0x3F9A] =	sst lr;
	_ =	strace $0xD0000000  }
0x3: {  	_ = 	snop  }
0x4: {  	_ = 	snop  }
0x5: {  	_ = 	snop  }
0x6: {  	_ = 	snop  }
0x7: {  	_ = 	snop  }
__scs_overlays_trampoline_lowered:
0x8: {  	[smem:$0x3FA9] =	sst s0  }
0x9: {  	[smem:$0x3FAA] =	sst s1  }
0xa: {  	[smem:$0x3FAB] =	sst s2  }
0xb: {  	[smem:$0x3FAC] =	sst s3  }
0xc: {  	[smem:$0x3FAD] =	sst s4  }
0xd: {  	[smem:$0x3FAE] =	sst s5  }
0xe: {  	[smem:$0x3FAF] =	sst s6  }
0xf: {  	[smem:$0x3FB0] =	sst s7  }
0x10: {  	[smem:$0x3FB1] =	sst s8  }
0x11: {  	[smem:$0x3FB2] =	sst s9;
	s0 =	simm.s32 @!p0 $0x0  }
0x12: {  	s1 =	sld [smem:$0x3F98];
	s0 =	simm.s32 @p0 $0x1  }
0x13: {  	[smem:$0x3FB3] =	sst s0;
	s0 =	simm.s32 @!p1 $0x0  }
0x14: {  	s2 =	sld [smem:$0x3F97];
	s0 =	simm.s32 @p1 $0x1  }
0x15: {  	[smem:$0x3FB4] =	sst s0;
	s0 =	simm.s32 @!p2 $0x0  }
0x16: {  	s3 =	sld [smem:$0x3FDB];
	s0 =	simm.s32 @p2 $0x1  }
0x17: {  	s4 =	simm.s32 $0x1BF5;
	[smem:$0x3FB6] =	sst s0  }
0x18: {  	s0 =	sld [smem:$0x3F99];
	_ =	swait.ge [sflag:s4], $0x0  }
0x19: {  	s7 =	sld [smem:$0x3F9A]  }
0x1a: {  	s8 =	sadd.s32 $0xFFFFE003, lr  }
0x1b: {  	s9 =	sadd.s32 $0xFFFFFEF7, lr;
	s5 =	simm.s32 $0xFFFFFFFF;
	p2 =	slt.u32 s8, $0xFFFFF086  }
0x1c: {  	p1 =	slt.u32 s9, $0xF7A;
	s5 =	simm.s32 @!p2 $0x0  }
0x1d: {  	s5 =	simm.s32 @p1 $0x1;
	p0 =	seq.s32 s7, s2  }
0x1e: {  	s7 =	smul.u32 @!p0 $0xF7A, s2;
	p2 =	seq.s32 @!p0 s5, $0x0  }
0x1f: {  	s9 =	smul.u32 $0xF7A, s1;
	s8 =	simm.s32 @!p0 $0x1BF5;
	p2 =	por !p2, p0  }
0x20: {  	[sflag:s8] =	ssyncset.s32 @!p0 $0xFFFFF086;
	s6 =	sadd.s32 @!p0 s3, s7;
	s7 =	simm.s32 @!p0 $0x108  }
0x21: {  	s3 =	sadd.s32 s3, s9;
	s6 =	sadd.s32 @!p0 $0x88, s6;
	s7 =	simm.s32 @p2 $0x1082  }
0x22: {  	[simem:s7], [sflag:s8] =	dma.local @!p0 [hbm:s6], $0xF7A  }
0x23: {  	s9 =	sor.u32 $0xD0000000, s2;
	s6 =	simm.s32 $0x108;
	_ =	swait.ge @!p0 [sflag:s8], $0x0  }
0x24: {  	s3 =	sadd.s32 $0x88, s3;
	s6 =	simm.s32 @!p1 $0x1082;
	[sflag:s4] =	ssyncset.s32 $0xFFFFF086  }
0x25: {  	[simem:s6], [sflag:s4] =	dma.local [hbm:s3], $0xF7A  }
0x26: {  	[smem:$0x3F9A] =	sst s1;
	(tag) =	ssettag s2;
	_ =	strace s9  }
0x27: {  	s1 =	sld [smem:$0x3FAA]  }
0x28: {  	s2 =	sld [smem:$0x3FAB]  }
0x29: {  	s4 =	sld [smem:$0x3FAD]  }
0x2a: {  	p0 =	seq.s32 s5, $0x0;
	s5 =	sld [smem:$0x3FAE]  }
0x2b: {  	s6 =	sld [smem:$0x3FAF]  }
0x2c: {  	s7 =	sld [smem:$0x3FB0]  }
0x2d: {  	s3 =	simm.s32 $0x108;
	s8 =	sld [smem:$0x3FB1]  }
0x2e: {  	s3 =	simm.s32 @!p0 $0x1082;
	s9 =	sld [smem:$0x3FB2]  }
0x2f: {  	lr =	sadd.s32 s0, s3;
	s0 =	sld [smem:$0x3FA9]  }
0x30: {  	s3 =	sld [smem:$0x3FAC]  }
0x31: {  	[smem:$0x3FB5] =	sst s10  }
0x32: {  	s10 =	sld [smem:$0x3FB3];
	_ =	sdelay $0x3  }
0x33: {  	p0 =	seq.s32 s10, $0x1;
	s10 =	sld [smem:$0x3FB5];
	_ =	sdelay $0x3  }
0x34: {  	[smem:$0x3FB5] =	sst s10  }
0x35: {  	s10 =	sld [smem:$0x3FB4];
	_ =	sdelay $0x3  }
0x36: {  	p1 =	seq.s32 s10, $0x1;
	s10 =	sld [smem:$0x3FB5];
	_ =	sdelay $0x3  }
0x37: {  	[smem:$0x3FB5] =	sst s10  }
0x38: {  	s10 =	sld [smem:$0x3FB6]  }
0x39: {  	_ = 	snop;
	(pc) =	sbr.ind lr, $3  }
0x3a: {  	_ = 	snop  }
0x3b: {  	_ = 	snop  }
0x3c: {  	p2 =	seq.s32 s10, $0x1;
	s10 =	sld [smem:$0x3FB5]  }
0x3d: {  	_ =	shalt  }
0x3e: {  	_ =	shalt  }
0x3f: {  	_ =	shalt  }
0x40: {  	_ =	shalt  }
0x41: {  	_ =	shalt  }
0x42: {  	_ =	shalt  }
0x43: {  	_ =	shalt  }
0x44: {  	_ =	shalt  }
0x45: {  	_ =	shalt  }
0x46: {  	_ =	shalt  }
0x47: {  	_ =	shalt  }
0x48: {  	_ =	shalt  }
0x49: {  	_ =	shalt  }
0x4a: {  	_ =	shalt  }
0x4b: {  	_ =	shalt  }
0x4c: {  	_ =	shalt  }
0x4d: {  	_ =	shalt  }
0x4e: {  	_ =	shalt  }
0x4f: {  	_ =	shalt  }
0x50: {  	_ =	shalt  }
0x51: {  	_ =	shalt  }
0x52: {  	_ =	shalt  }
0x53: {  	_ =	shalt  }
0x54: {  	_ =	shalt  }
0x55: {  	_ =	shalt  }
0x56: {  	_ =	shalt  }
0x57: {  	_ =	shalt  }
0x58: {  	_ =	shalt  }
0x59: {  	_ =	shalt  }
0x5a: {  	_ =	shalt  }
0x5b: {  	_ =	shalt  }
0x5c: {  	_ =	shalt  }
0x5d: {  	_ =	shalt  }
0x5e: {  	_ =	shalt  }
0x5f: {  	_ =	shalt  }
0x60: {  	_ =	shalt  }
0x61: {  	_ =	shalt  }
0x62: {  	_ =	shalt  }
0x63: {  	_ =	shalt  }
0x64: {  	_ =	shalt  }
0x65: {  	_ =	shalt  }
0x66: {  	_ =	shalt  }
0x67: {  	_ =	shalt  }
0x68: {  	_ =	shalt  }
0x69: {  	_ =	shalt  }
0x6a: {  	_ =	shalt  }
0x6b: {  	_ =	shalt  }
0x6c: {  	_ =	shalt  }
0x6d: {  	_ =	shalt  }
0x6e: {  	_ =	shalt  }
0x6f: {  	_ =	shalt  }
0x70: {  	_ =	shalt  }
0x71: {  	_ =	shalt  }
0x72: {  	_ =	shalt  }
0x73: {  	_ =	shalt  }
0x74: {  	_ =	shalt  }
0x75: {  	_ =	shalt  }
0x76: {  	_ =	shalt  }
0x77: {  	_ =	shalt  }
0x78: {  	_ =	shalt  }
0x79: {  	_ =	shalt  }
0x7a: {  	_ =	shalt  }
0x7b: {  	_ =	shalt  }
0x7c: {  	_ =	shalt  }
0x7d: {  	_ =	shalt  }
0x7e: {  	_ =	shalt  }
0x7f: {  	_ =	shalt  }
0x80: {  	_ =	shalt  }
0x81: {  	_ =	shalt  }
0x82: {  	_ =	shalt  }
0x83: {  	_ =	shalt  }
0x84: {  	_ =	shalt  }
0x85: {  	_ =	shalt  }
0x86: {  	_ =	shalt  }
0x87: {  	_ =	shalt  }
.Lfunc_end0:
.L_simem_size_0:
called_computation.2_lowered:
.L_overlay_start_0:
0x88: {  	s2 =	sld [smem:$0x3FD9]  }
0x89: {  	s3 =	sld [smem:$0x3FFE];
	_ =	sdelay $0x1  }
0x8a: {  	s1 =	srdreg.scid  }
0x8b: {  	s0 =	sand.u32 $0x1, s1  }
0x8c: {  	s17 =	sshll.u32 s0, $0xA;
	s2 =	sadd.s32 s3, s2  }
0x8d: {  	s2 =	sadd.s32 s2, s17  }
0x8e: {  	[smem:$0x3FC1] =	sst s2  }
0x8f: {  	_ = 	snop  }
0x90: {  	s2 =	sld [smem:$0x3FD0];
	(tm) =	ssettm $0x1  }
0x91: {  	s18 =	sld [smem:$0x3FFB];
	_ =	sdelay $0x3  }
0x92: {  	_ =	strace s18  }
0x93: {  	s3 =	sld [smem:$0x3FFC];
	_ =	sdelay $0x3  }
0x94: {  	_ =	strace s3  }
0x95: {  	s3 =	sld [smem:$0x3FFD];
	_ =	sdelay $0x3  }
0x96: {  	_ =	strace s3  }
0x97: {  	_ =	strace $0x8FFFFFFF  }
0x98: {  	s19 =	sld [smem:$0x3FDB];
	_ =	sdelay $0x1  }
0x99: {  	s4 =	simm.s32 $_scs_section_size  }
0x9a: {  	s5 =	simm.s32 $_size__tile_overlayer_lowered;
	s6 =	simm.s32 $_tile_overlayer_lowered  }
0x9b: {  	s22 =	simm.s32 $0x1BFF;
	s21 =	sshll.u32 s6, $0x1;
	s3 =	sadd.s32 s4, s19  }
0x9c: {  	s7 =	simm.s32 $0x0;
	s20 =	sshll.u32 s5, $0x1;
	s5 =	sadd.s32 s21, s3  }
0x9d: {  	[timem:s7], [sflag:s22] =	dma.local [hbm:s5], s20  }
0x9e: {  	_ =	swait.ge [sflag:s22], s20  }
0x9f: {  	s4 =	ssub.s32 $0x0, s20;
	[sflag:s22] =	ssyncset.done $0x0  }
0xa0: {  	[sflag:s22] =	ssyncadd.s32 s4;
	_ =	sdelay $0x1  }
0xa1: {  	s23 =	simm.s32 $0x1B8B  }
0xa2: {  	_ =	swait.ge [sflag:s23], $0x1  }
0xa3: {  	[sflag:s23] =	ssyncset.done $0x0  }
0xa4: {  	s25 =	simm.s32 $0x1B8E;
	s24 =	sld [smem:$0x3FFE];
	[sflag:s23] =	ssyncadd.s32 $0xFFFFFFFF  }
0xa5: {  	s26 =	simm.s32 $execute0_lowered;
	[smem:$0x3FD2] =	sst s25  }
0xa6: {  	s5 =	sshll.u32 s26, $0x1;
	_ =	strace $0x8000004C;
	[dreg:$0x1] =	wrdreg $0xFFFFFFFF  }
0xa7: {  	s28 =	simm.s32 $_size_execute0_lowered;
	s3 =	sadd.s32 s3, s5;
	[dreg:$0x0] =	wrdreg $0x0  }
0xa8: {  	s5 =	sshll.u32 s28, $0x1;
	[dreg:$0x2] =	wrdreg s3  }
0xa9: {  	[dreg:$0x3] =	wrdreg s5  }
0xaa: {  	[dreg:$0x4] =	wrdreg $0xC0  }
0xab: {  	_ =	task [dreg:s7], $0x5FFFF  }
0xac: {  	[dreg:$0x1] =	wrdreg $0xFFFFFFFF  }
0xad: {  	[dreg:$0x0] =	wrdreg $0x60  }
0xae: {  	[dreg:$0x2] =	wrdreg s2  }
0xaf: {  	[dreg:$0x3] =	wrdreg s24  }
0xb0: {  	[dreg:$0x4] =	wrdreg $0x0  }
0xb1: {  	[dreg:$0x5] =	wrdreg $0x9  }
0xb2: {  	_ =	task.clear_ibuf [dreg:s7], $0x6FFFF;
	_ =	strace $0x9000004C  }
0xb3: {  	s29 =	simm.s32 $0x9;
	_ =	strace $0x8000004E  }
0xb4: {  	_ =	swait.ge [sflag:s29], $0x1  }
0xb5: {  	[sflag:s29] =	ssyncadd.s32 $0xFFFFFFFF  }
0xb6: {  	_ =	strace $0x9000004E  }
0xb7: {  	_ =	sfence  }
0xb8: {  	s30 =	sld [smem:$0x0];
	_ =	sdelay $0x2  }
0xb9: {  	s31 =	sshll.u32 s1, $0xD;
	s1 =	sshrl.u32 s1, $0x2  }
0xba: {  	s3 =	sand.u32 $0x4000, s31;
	s1 =	sadd.s32 s1, s30  }
0xbb: {  	s0 =	sor.u32 s3, s0;
	s1 =	sshll.u32 s1, $0x11  }
0xbc: {  	s0 =	sor.u32 s1, s0  }
0xbd: {  	s0 =	sadd.s32 $0x8F2B, s0  }
0xbe: {  	[sflag:s0] =	ssyncadd.remote.s32 $0x1  }
0xbf: {  	_ =	sfence.sel $0xFFFF  }
0xc0: {  	[dreg:$0x0] =	wrdreg $0xFFFFFFFF;
	(pc) =	sbr.abs _section_cstart, $3  }
0xc1: {  	[dreg:$0x1] =	wrdreg $0xFFFFFFFF  }
0xc2: {  	_ =	task.clear_ibuf [dreg:s7], $0x2FFFF;
	_ =	strace $0x9FFFFFFF  }
0xc3: {  	(tm) =	ssettm $0x7FFFFFFF  }
tec
execute0_lowered:
.L_overlay_start_1:
0x0: {  	(tag) =	ssettag $0x1  }
0x1: {  	s1 =	rddreg [dreg:$0x0]  }
0x2: {  	s5 =	rddreg [dreg:$0x1]  }
0x3: {  	s3 =	rddreg [dreg:$0x2]  }
0x4: {  	s0 =	srdreg.scid;
	s2 =	rddreg [dreg:$0x3];
	s4 =	simm.s32 $0x0  }
0x5: {  	s14 =	simm.s32 $0x14C80;
	s18 =	simm.s32 $0x28;
	s19 =	simm.s32 $0x16080  }
0x6: {  	s20 =	simm.s32 $0x17480;
	s21 =	simm.s32 $0x1;
	s7 =	sand.u32 $0x1, s0  }
0x7: {  	s22 =	simm.s32 $0x2;
	s0 =	stileid.u32;
	s6 =	smul.u32 $0x13880, s7  }
0x8: {  	s23 =	simm.s32 $0x15FE0;
	s24 =	simm.s32 $0x0;
	s8 =	smul.u32 $0x1388, s0  }
0x9: {  	[smem:$0x7FF] =	sst s4;
	s15 =	sadd.s32 $0x128400, s3;
	s10 =	smul.u32 $0x4F000, s0  }
0xa: {  	s11 =	sadd.s32 $0xBA00, s5;
	_ =	strace $0x8000004D;
	s29 =	smul.u32 $0x2780, s0  }
0xb: {  	s28 =	ssub.s32 $0x2, s7;
	s31 =	smul.u32 $0x138800, s7;
	p0 =	seq.s32 s0, $0xF  }
0xc: {  	s13 =	smul.u32 $0x27100, s7;
	s9 =	sshrl.u32 s28, $0x1;
	s15 =	sshrl.u32 @p0 s15, $0x3  }
0xd: {  	s16 =	sshll.u32 @!p0 s0, $0x6;
	s6 =	sadd.s32 s8, s6;
	s12 =	ssub.s32 s28, s9  }
0xe: {  	s30 =	sshrl.u32 s10, $0x2;
	s7 =	sadd.s32 s1, s29;
	s10 =	sshrl.u32 s31, $0x3  }
0xf: {  	s8 =	sadd.s32 $0x25080, s1;
	s9 =	sadd.s32 s29, s13;
	s13 =	simm.s32 $0x3  }
0x10: {  	s16 =	sor.u32 @!p0 $0x1C03, s16;
	s6 =	sshrl.u32 s6, $0x3;
	s17 =	sadd.s32 s30, s3  }
0x11: {  	s10 =	sadd.s32 s11, s10;
	s9 =	sadd.s32 s11, s9;
	s11 =	smax.u32 s12, $0x1  }
0x12: {  	s12 =	simm.s32 $0x13880;
	s6 =	sadd.s32 s6, s5;
	s10 =	sadd.s32 $0x25080, s10  }
0x13: {  	s17 =	sshrl.u32 @!p0 s17, $0x3;
	s5 =	sadd.s32 $0x6A00, s6;
	s6 =	sadd.s32 $0x1A00, s6  }
.LBB2_1:
0x14: {  	[tilespmem:s12], [sflag:$0x3] =	stream.linear.gather [hbm4b:s5+s4], $0x1388, $0x38;
	[tilespmem:$0x18880] =	vst v63  }
0x15: {  	_ =	swait.ge [sflag:s13], $0x1388  }
0x16: {  	[sflag:s13] =	ssyncset.done $0x0  }
0x17: {  	[sflag:s13] =	ssyncadd.s32 $0xFFFFEC78  }
0x18: {  	[tilespmem:s14], [sflag:$0x3] =	stream.linear.gather [hbm4b:s6+s4], $0x1388, $0x38;
	[tilespmem:$0x18880] =	vst v63  }
0x19: {  	_ =	swait.ge [sflag:s13], $0x1388  }
0x1a: {  	[sflag:s13] =	ssyncset.done $0x0  }
0x1b: {  	s25 =	simm.s32 @p0 $0x1FC3;
	[sflag:s13] =	ssyncadd.s32 $0xFFFFEC78  }
0x1c: {  	[spmem:s15], [sflag:s25] =	dma.local @p0 [hbm:s8], $0x2080  }
0x1d: {  	s25 =	simm.s32 @p0 $0x3  }
0x1e: {  	_ =	swait.ge @p0 [sflag:s25], $0x2080  }
0x1f: {  	[sflag:s25] =	ssyncset.done @p0 $0x0  }
0x20: {  	[sflag:s25] =	ssyncadd.s32 @p0 $0xFFFFDF80;
	s25 =	simm.s32 @!p0 $0x3  }
0x21: {  	[spmem:s17], [sflag:s16] =	dma.local @!p0 [hbm:s7], $0x2780  }
0x22: {  	_ =	swait.ge @!p0 [sflag:s25], $0x2780  }
0x23: {  	[sflag:s25] =	ssyncset.done @!p0 $0x0  }
0x24: {  	[sflag:s25] =	ssyncadd.s32 @!p0 $0xFFFFD880  }
0x25: {  	[bflag:$0x0] =	sbarrier.arrive $0xFFFF  }
0x26: {  	[tilespmem:s19], [sflag:$0x1] =	stream.indirect.gather [hbm4b:s1+s18], $0x80, s12, s18, $0xb8;
	[tilespmem:$0x18880] =	vst v63  }
0x27: {  	s28 =	simm.s32 $0x138A8  }
0x28: {  	[tilespmem:s20], [sflag:$0x2] =	stream.indirect.gather [hbm4b:s1+s18], $0x80, s28, s18, $0xb8;
	[tilespmem:$0x18880] =	vst v63  }
0x29: {  	_ =	swait.ge [sflag:s21], $0x1400  }
0x2a: {  	[sflag:s21] =	ssyncset.done $0x0  }
0x2b: {  	s29 =	simm.s32 $0x14C80;
	[sflag:s21] =	ssyncadd.s32 $0xFFFFEC00  }
0x2c: {  	[spmem:s3] =	stream.indirect.scatter.add.f32 [tilespmem:s19], [sflag:$0x3], $0x80, s29, s18, $0xb8;
	[tilespmem:$0x18880] =	vst v63  }
0x2d: {  	_ =	swait.ge [sflag:s13], $0x1400  }
0x2e: {  	[sflag:s13] =	ssyncset.done $0x0  }
0x2f: {  	s30 =	simm.s32 $0x138D0;
	[sflag:s13] =	ssyncadd.s32 $0xFFFFEC00  }
0x30: {  	[tilespmem:s19], [sflag:$0x1] =	stream.indirect.gather [hbm4b:s1+s18], $0x80, s30, s18, $0xb8;
	[tilespmem:$0x18880] =	vst v63  }
0x31: {  	_ =	swait.ge [sflag:s22], $0x1400  }
0x32: {  	[sflag:s22] =	ssyncset.done $0x0  }
0x33: {  	s31 =	simm.s32 $0x14CA8;
	[sflag:s22] =	ssyncadd.s32 $0xFFFFEC00  }
0x34: {  	[spmem:s3] =	stream.indirect.scatter.add.f32 [tilespmem:s20], [sflag:$0x3], $0x80, s31, s18, $0xb8;
	[tilespmem:$0x18880] =	vst v63  }
0x35: {  	_ =	swait.ge [sflag:s13], $0x1400  }
0x36: {  	s26 =	simm.s32 $0x280;
	s25 =	simm.s32 $0x50;
	[sflag:s13] =	ssyncset.done $0x0  }
.LBB2_2:
0x37: {  	s28 =	sadd.s32 $0x138A8, s25  }
0x38: {  	[sflag:s13] =	ssyncadd.s32 $0xFFFFEC00;
	s29 =	smov.u32 s26;
	s30 =	sadd.s32 $0x140, s26  }
0x39: {  	[tilespmem:s20], [sflag:$0x2] =	stream.indirect.gather [hbm4b:s1+s18], $0x80, s28, s18, $0xb8;
	[tilespmem:$0x18880] =	vst v63  }
0x3a: {  	p1 =	sne.s32 s26, $0x4C40;
	_ =	swait.ge [sflag:s21], $0x1400  }
0x3b: {  	[sflag:s21] =	ssyncset.done $0x0  }
0x3c: {  	s26 =	sadd.s32 $0x14C80, s25;
	[sflag:s21] =	ssyncadd.s32 $0xFFFFEC00  }
0x3d: {  	[spmem:s3] =	stream.indirect.scatter.add.f32 [tilespmem:s19], [sflag:$0x3], $0x80, s26, s18, $0xb8;
	[tilespmem:$0x18880] =	vst v63  }
0x3e: {  	_ =	swait.ge [sflag:s13], $0x1400  }
0x3f: {  	[sflag:s13] =	ssyncset.done $0x0  }
0x40: {  	s26 =	sadd.s32 $0x138D0, s25;
	[sflag:s13] =	ssyncadd.s32 $0xFFFFEC00  }
0x41: {  	[tilespmem:s19], [sflag:$0x1] =	stream.indirect.gather [hbm4b:s1+s18], $0x80, s26, s18, $0xb8;
	[tilespmem:$0x18880] =	vst v63  }
0x42: {  	_ =	swait.ge [sflag:s22], $0x1400  }
.Ltmp0:
0x43: {  	[sflag:s22] =	ssyncset.done $0x0;
	(pc) =	sbr.rel @p1 .LBB2_2-.Ltmp0, $4  }
0x44: {  	s25 =	sadd.s32 $0x14CA8, s25;
	[sflag:s22] =	ssyncadd.s32 $0xFFFFEC00  }
0x45: {  	[spmem:s3] =	stream.indirect.scatter.add.f32 [tilespmem:s20], [sflag:$0x3], $0x80, s25, s18, $0xb8;
	[tilespmem:$0x18880] =	vst v63  }
0x46: {  	_ =	swait.ge [sflag:s13], $0x1400  }
0x47: {  	s26 =	smov.u32 s30;
	s25 =	sshra.s32 s29, $0x2;
	[sflag:s13] =	ssyncset.done $0x0  }
0x48: {  	s26 =	sadd.s32 $0x138A8, s25;
	[sflag:s13] =	ssyncadd.s32 $0xFFFFEC00  }
0x49: {  	[tilespmem:s20], [sflag:$0x2] =	stream.indirect.gather [hbm4b:s1+s18], $0x80, s26, s18, $0xb8;
	[tilespmem:$0x18880] =	vst v63  }
0x4a: {  	_ =	swait.ge [sflag:s21], $0x1400  }
0x4b: {  	[sflag:s21] =	ssyncset.done $0x0  }
0x4c: {  	s29 =	sadd.s32 $0x14C80, s25;
	[sflag:s21] =	ssyncadd.s32 $0xFFFFEC00  }
0x4d: {  	[spmem:s3] =	stream.indirect.scatter.add.f32 [tilespmem:s19], [sflag:$0x3], $0x80, s29, s18, $0xb8;
	[tilespmem:$0x18880] =	vst v63  }
0x4e: {  	_ =	swait.ge [sflag:s13], $0x1400  }
0x4f: {  	[sflag:s13] =	ssyncset.done $0x0  }
0x50: {  	s30 =	sadd.s32 $0x138D0, s25;
	[sflag:s13] =	ssyncadd.s32 $0xFFFFEC00  }
0x51: {  	[tilespmem:s19], [sflag:$0x1] =	stream.indirect.gather [hbm4b:s1+s18], $0x80, s30, s18, $0xb8;
	[tilespmem:$0x18880] =	vst v63  }
0x52: {  	_ =	swait.ge [sflag:s22], $0x1400  }
0x53: {  	[sflag:s22] =	ssyncset.done $0x0  }
0x54: {  	s31 =	sadd.s32 $0x14CA8, s25;
	[sflag:s22] =	ssyncadd.s32 $0xFFFFEC00  }
0x55: {  	[spmem:s3] =	stream.indirect.scatter.add.f32 [tilespmem:s20], [sflag:$0x3], $0x80, s31, s18, $0xb8;
	[tilespmem:$0x18880] =	vst v63  }
0x56: {  	_ =	swait.ge [sflag:s13], $0x1400  }
0x57: {  	[sflag:s13] =	ssyncset.done $0x0  }
0x58: {  	[sflag:s13] =	ssyncadd.s32 $0xFFFFEC00  }
0x59: {  	_ =	swait.ge [sflag:s21], $0x1400  }
0x5a: {  	[sflag:s21] =	ssyncset.done $0x0  }
0x5b: {  	[sflag:s21] =	ssyncadd.s32 $0xFFFFEC00  }
0x5c: {  	[spmem:s3] =	stream.indirect.scatter.add.f32 [tilespmem:s19], [sflag:$0x3], $0x80, s23, s18, $0xb8;
	[tilespmem:$0x18880] =	vst v63  }
0x5d: {  	_ =	swait.ge [sflag:s13], $0x1400  }
0x5e: {  	[sflag:s13] =	ssyncset.done $0x0  }
0x5f: {  	[sflag:s13] =	ssyncadd.s32 $0xFFFFEC00  }
0x60: {  	s25 =	simm.s32 @p0 $0x1FC3;
	[bflag:$0x0] =	sbarrier.arrive $0xFFFF  }
0x61: {  	[hbm:s10], [sflag:s25] =	dma.local @p0 [spmem:s15], $0x2080  }
0x62: {  	s25 =	simm.s32 @p0 $0x3  }
0x63: {  	s24 =	sadd.s32 $0x1, s24;
	_ =	swait.ge @p0 [sflag:s25], $0x2080  }
0x64: {  	p1 =	sne.s32 s24, s11;
	[sflag:s25] =	ssyncset.done @p0 $0x0  }
.Ltmp1:
0x65: {  	[sflag:s25] =	ssyncadd.s32 @p0 $0xFFFFDF80;
	s25 =	simm.s32 @!p0 $0x3;
	(pc) =	sbr.rel @p1 .LBB2_1-.Ltmp1, $4  }
0x66: {  	[hbm:s9], [sflag:s16] =	dma.local @!p0 [spmem:s17], $0x2780  }
0x67: {  	_ =	swait.ge @!p0 [sflag:s25], $0x2780  }
0x68: {  	[sflag:s25] =	ssyncset.done @!p0 $0x0  }
0x69: {  	[sflag:s25] =	ssyncadd.s32 @!p0 $0xFFFFD880  }
0x6a: {  	_ =	sfence.sel $0x180000  }
0x6b: {  	[bflag:$0x0] =	sbarrier.arrive $0xFFFF  }
0x6c: {  	p0 =	sne.s32 s0, $0x0;
	_ =	strace $0x9000004D  }
0x6d: {  	s0 =	sadd.s32 @!p0 $0x100000, s2;
	[bflag:$0x2] =	sbarrier.arrive $0xFFFF  }
0x6e: {  	[sflag:s0] =	ssyncadd.tile.s32 @!p0 $0x1;
	_ =	shalt  }
.Lfunc_end2:
_tile_overlayer_lowered:
.L_overlay_start_2:
0x6f: {  	(tag) =	ssettag $0x2  }
0x70: {  	s0 =	rddreg [dreg:$0x0];
	s2 =	stileid.u32  }
0x71: {  	s1 =	rddreg [dreg:$0x1];
	p0 =	sne.s32 s2, $0x0  }
0x72: {  	s3 =	rddreg [dreg:$0x2];
	[bflag:$0x3] =	sbarrier.arrive $0xFFFF;
	s2 =	simm.s32 @!p0 $0x1C03  }
0x73: {  	[timem:s3], [sflag:s2] =	dma.local @!p0 [hbm:s0], s1  }
0x74: {  	s0 =	simm.s32 @!p0 $0x3  }
0x75: {  	_ =	swait.ge @!p0 [sflag:s0], s1  }
0x76: {  	s1 =	ssub.s32 @!p0 $0x0, s1;
	[sflag:s0] =	ssyncset.done @!p0 $0x0  }
0x77: {  	[sflag:s0] =	ssyncadd.s32 @!p0 s1  }
0x78: {  	[bflag:$0x3] =	sbarrier.arrive $0xFFFF  }
0x79: {  	_ =	shalt  }

// kernel: kernel.8.cloned.1.call-start
scs
__scs_entry_jumppad:
0x0: {  	(pc) =	sbr.rel $0x88, $3  }
0x1: {  	(tag) =	ssettag $0x0;
	lr =	simm.s32 $0x1  }
0x2: {  	[smem:$0x3F9A] =	sst lr;
	_ =	strace $0xD0000000  }
0x3: {  	_ = 	snop  }
0x4: {  	_ = 	snop  }
0x5: {  	_ = 	snop  }
0x6: {  	_ = 	snop  }
0x7: {  	_ = 	snop  }
__scs_overlays_trampoline_lowered:
0x8: {  	[smem:$0x3FA9] =	sst s0  }
0x9: {  	[smem:$0x3FAA] =	sst s1  }
0xa: {  	[smem:$0x3FAB] =	sst s2  }
0xb: {  	[smem:$0x3FAC] =	sst s3  }
0xc: {  	[smem:$0x3FAD] =	sst s4  }
0xd: {  	[smem:$0x3FAE] =	sst s5  }
0xe: {  	[smem:$0x3FAF] =	sst s6  }
0xf: {  	[smem:$0x3FB0] =	sst s7  }
0x10: {  	[smem:$0x3FB1] =	sst s8  }
0x11: {  	[smem:$0x3FB2] =	sst s9;
	s0 =	simm.s32 @!p0 $0x0  }
0x12: {  	s1 =	sld [smem:$0x3F98];
	s0 =	simm.s32 @p0 $0x1  }
0x13: {  	[smem:$0x3FB3] =	sst s0;
	s0 =	simm.s32 @!p1 $0x0  }
0x14: {  	s2 =	sld [smem:$0x3F97];
	s0 =	simm.s32 @p1 $0x1  }
0x15: {  	[smem:$0x3FB4] =	sst s0;
	s0 =	simm.s32 @!p2 $0x0  }
0x16: {  	s3 =	sld [smem:$0x3FDB];
	s0 =	simm.s32 @p2 $0x1  }
0x17: {  	s4 =	simm.s32 $0x1BF5;
	[smem:$0x3FB6] =	sst s0  }
0x18: {  	s0 =	sld [smem:$0x3F99];
	_ =	swait.ge [sflag:s4], $0x0  }
0x19: {  	s7 =	sld [smem:$0x3F9A]  }
0x1a: {  	s8 =	sadd.s32 $0xFFFFE003, lr  }
0x1b: {  	s9 =	sadd.s32 $0xFFFFFEF7, lr;
	s5 =	simm.s32 $0xFFFFFFFF;
	p2 =	slt.u32 s8, $0xFFFFF086  }
0x1c: {  	p1 =	slt.u32 s9, $0xF7A;
	s5 =	simm.s32 @!p2 $0x0  }
0x1d: {  	s5 =	simm.s32 @p1 $0x1;
	p0 =	seq.s32 s7, s2  }
0x1e: {  	s7 =	smul.u32 @!p0 $0xF7A, s2;
	p2 =	seq.s32 @!p0 s5, $0x0  }
0x1f: {  	s9 =	smul.u32 $0xF7A, s1;
	s8 =	simm.s32 @!p0 $0x1BF5;
	p2 =	por !p2, p0  }
0x20: {  	[sflag:s8] =	ssyncset.s32 @!p0 $0xFFFFF086;
	s6 =	sadd.s32 @!p0 s3, s7;
	s7 =	simm.s32 @!p0 $0x108  }
0x21: {  	s3 =	sadd.s32 s3, s9;
	s6 =	sadd.s32 @!p0 $0x88, s6;
	s7 =	simm.s32 @p2 $0x1082  }
0x22: {  	[simem:s7], [sflag:s8] =	dma.local @!p0 [hbm:s6], $0xF7A  }
0x23: {  	s9 =	sor.u32 $0xD0000000, s2;
	s6 =	simm.s32 $0x108;
	_ =	swait.ge @!p0 [sflag:s8], $0x0  }
0x24: {  	s3 =	sadd.s32 $0x88, s3;
	s6 =	simm.s32 @!p1 $0x1082;
	[sflag:s4] =	ssyncset.s32 $0xFFFFF086  }
0x25: {  	[simem:s6], [sflag:s4] =	dma.local [hbm:s3], $0xF7A  }
0x26: {  	[smem:$0x3F9A] =	sst s1;
	(tag) =	ssettag s2;
	_ =	strace s9  }
0x27: {  	s1 =	sld [smem:$0x3FAA]  }
0x28: {  	s2 =	sld [smem:$0x3FAB]  }
0x29: {  	s4 =	sld [smem:$0x3FAD]  }
0x2a: {  	p0 =	seq.s32 s5, $0x0;
	s5 =	sld [smem:$0x3FAE]  }
0x2b: {  	s6 =	sld [smem:$0x3FAF]  }
0x2c: {  	s7 =	sld [smem:$0x3FB0]  }
0x2d: {  	s3 =	simm.s32 $0x108;
	s8 =	sld [smem:$0x3FB1]  }
0x2e: {  	s3 =	simm.s32 @!p0 $0x1082;
	s9 =	sld [smem:$0x3FB2]  }
0x2f: {  	lr =	sadd.s32 s0, s3;
	s0 =	sld [smem:$0x3FA9]  }
0x30: {  	s3 =	sld [smem:$0x3FAC]  }
0x31: {  	[smem:$0x3FB5] =	sst s10  }
0x32: {  	s10 =	sld [smem:$0x3FB3];
	_ =	sdelay $0x3  }
0x33: {  	p0 =	seq.s32 s10, $0x1;
	s10 =	sld [smem:$0x3FB5];
	_ =	sdelay $0x3  }
0x34: {  	[smem:$0x3FB5] =	sst s10  }
0x35: {  	s10 =	sld [smem:$0x3FB4];
	_ =	sdelay $0x3  }
0x36: {  	p1 =	seq.s32 s10, $0x1;
	s10 =	sld [smem:$0x3FB5];
	_ =	sdelay $0x3  }
0x37: {  	[smem:$0x3FB5] =	sst s10  }
0x38: {  	s10 =	sld [smem:$0x3FB6]  }
0x39: {  	_ = 	snop;
	(pc) =	sbr.ind lr, $3  }
0x3a: {  	_ = 	snop  }
0x3b: {  	_ = 	snop  }
0x3c: {  	p2 =	seq.s32 s10, $0x1;
	s10 =	sld [smem:$0x3FB5]  }
0x3d: {  	_ =	shalt  }
0x3e: {  	_ =	shalt  }
0x3f: {  	_ =	shalt  }
0x40: {  	_ =	shalt  }
0x41: {  	_ =	shalt  }
0x42: {  	_ =	shalt  }
0x43: {  	_ =	shalt  }
0x44: {  	_ =	shalt  }
0x45: {  	_ =	shalt  }
0x46: {  	_ =	shalt  }
0x47: {  	_ =	shalt  }
0x48: {  	_ =	shalt  }
0x49: {  	_ =	shalt  }
0x4a: {  	_ =	shalt  }
0x4b: {  	_ =	shalt  }
0x4c: {  	_ =	shalt  }
0x4d: {  	_ =	shalt  }
0x4e: {  	_ =	shalt  }
0x4f: {  	_ =	shalt  }
0x50: {  	_ =	shalt  }
0x51: {  	_ =	shalt  }
0x52: {  	_ =	shalt  }
0x53: {  	_ =	shalt  }
0x54: {  	_ =	shalt  }
0x55: {  	_ =	shalt  }
0x56: {  	_ =	shalt  }
0x57: {  	_ =	shalt  }
0x58: {  	_ =	shalt  }
0x59: {  	_ =	shalt  }
0x5a: {  	_ =	shalt  }
0x5b: {  	_ =	shalt  }
0x5c: {  	_ =	shalt  }
0x5d: {  	_ =	shalt  }
0x5e: {  	_ =	shalt  }
0x5f: {  	_ =	shalt  }
0x60: {  	_ =	shalt  }
0x61: {  	_ =	shalt  }
0x62: {  	_ =	shalt  }
0x63: {  	_ =	shalt  }
0x64: {  	_ =	shalt  }
0x65: {  	_ =	shalt  }
0x66: {  	_ =	shalt  }
0x67: {  	_ =	shalt  }
0x68: {  	_ =	shalt  }
0x69: {  	_ =	shalt  }
0x6a: {  	_ =	shalt  }
0x6b: {  	_ =	shalt  }
0x6c: {  	_ =	shalt  }
0x6d: {  	_ =	shalt  }
0x6e: {  	_ =	shalt  }
0x6f: {  	_ =	shalt  }
0x70: {  	_ =	shalt  }
0x71: {  	_ =	shalt  }
0x72: {  	_ =	shalt  }
0x73: {  	_ =	shalt  }
0x74: {  	_ =	shalt  }
0x75: {  	_ =	shalt  }
0x76: {  	_ =	shalt  }
0x77: {  	_ =	shalt  }
0x78: {  	_ =	shalt  }
0x79: {  	_ =	shalt  }
0x7a: {  	_ =	shalt  }
0x7b: {  	_ =	shalt  }
0x7c: {  	_ =	shalt  }
0x7d: {  	_ =	shalt  }
0x7e: {  	_ =	shalt  }
0x7f: {  	_ =	shalt  }
0x80: {  	_ =	shalt  }
0x81: {  	_ =	shalt  }
0x82: {  	_ =	shalt  }
0x83: {  	_ =	shalt  }
0x84: {  	_ =	shalt  }
0x85: {  	_ =	shalt  }
0x86: {  	_ =	shalt  }
0x87: {  	_ =	shalt  }
.Lfunc_end0:
.L_simem_size_0:
called_computation_lowered:
.L_overlay_start_0:
0x88: {  	s2 =	sld [smem:$0x3FD9]  }
0x89: {  	s3 =	sld [smem:$0x3FFE];
	_ =	sdelay $0x1  }
0x8a: {  	s1 =	srdreg.scid  }
0x8b: {  	s0 =	sand.u32 $0x1, s1  }
0x8c: {  	s16 =	sshll.u32 s0, $0xA;
	s2 =	sadd.s32 s3, s2  }
0x8d: {  	s2 =	sadd.s32 s2, s16  }
0x8e: {  	[smem:$0x3FC1] =	sst s2  }
0x8f: {  	_ = 	snop  }
0x90: {  	(tm) =	ssettm $0x1  }
0x91: {  	s17 =	sld [smem:$0x3FFB];
	_ =	sdelay $0x3  }
0x92: {  	_ =	strace s17  }
0x93: {  	s2 =	sld [smem:$0x3FFC];
	_ =	sdelay $0x3  }
0x94: {  	_ =	strace s2  }
0x95: {  	s2 =	sld [smem:$0x3FFD];
	_ =	sdelay $0x3  }
0x96: {  	_ =	strace s2  }
0x97: {  	_ =	strace $0x8FFFFFFF  }
0x98: {  	s18 =	sld [smem:$0x3FDB];
	_ =	sdelay $0x1  }
0x99: {  	s19 =	simm.s32 $_scs_section_size  }
0x9a: {  	s4 =	simm.s32 $_size__tile_overlayer_lowered;
	s5 =	simm.s32 $_tile_overlayer_lowered  }
0x9b: {  	s22 =	simm.s32 $0x1BFF;
	s21 =	sshll.u32 s5, $0x1;
	s2 =	sadd.s32 s19, s18  }
0x9c: {  	s6 =	simm.s32 $0x0;
	s20 =	sshll.u32 s4, $0x1;
	s4 =	sadd.s32 s21, s2  }
0x9d: {  	[timem:s6], [sflag:s22] =	dma.local [hbm:s4], s20  }
0x9e: {  	_ =	swait.ge [sflag:s22], s20  }
0x9f: {  	s3 =	ssub.s32 $0x0, s20;
	[sflag:s22] =	ssyncset.done $0x0  }
0xa0: {  	[sflag:s22] =	ssyncadd.s32 s3;
	_ =	sdelay $0x1  }
0xa1: {  	s23 =	simm.s32 $0x1B8B  }
0xa2: {  	_ =	swait.ge [sflag:s23], $0x1  }
0xa3: {  	[sflag:s23] =	ssyncset.done $0x0  }
0xa4: {  	s25 =	simm.s32 $0x1B8E;
	s24 =	sld [smem:$0x3FFE];
	[sflag:s23] =	ssyncadd.s32 $0xFFFFFFFF  }
0xa5: {  	s26 =	simm.s32 $execute0_lowered;
	[smem:$0x3FD2] =	sst s25  }
0xa6: {  	s4 =	sshll.u32 s26, $0x1;
	_ =	strace $0x80000046;
	[dreg:$0x1] =	wrdreg $0xFFFFFFFF  }
0xa7: {  	s28 =	simm.s32 $_size_execute0_lowered;
	s2 =	sadd.s32 s2, s4;
	[dreg:$0x0] =	wrdreg $0x0  }
0xa8: {  	s4 =	sshll.u32 s28, $0x1;
	[dreg:$0x2] =	wrdreg s2  }
0xa9: {  	[dreg:$0x3] =	wrdreg s4  }
0xaa: {  	[dreg:$0x4] =	wrdreg $0xC0  }
0xab: {  	_ =	task [dreg:s6], $0x5FFFF  }
0xac: {  	[dreg:$0x1] =	wrdreg $0xFFFFFFFF  }
0xad: {  	[dreg:$0x0] =	wrdreg $0x60  }
0xae: {  	[dreg:$0x2] =	wrdreg s24  }
0xaf: {  	[dreg:$0x3] =	wrdreg $0x0  }
0xb0: {  	[dreg:$0x4] =	wrdreg $0x9  }
0xb1: {  	_ =	task.clear_ibuf [dreg:s6], $0x5FFFF;
	_ =	strace $0x90000046  }
0xb2: {  	s29 =	simm.s32 $0x9;
	_ =	strace $0x80000048  }
0xb3: {  	_ =	swait.ge [sflag:s29], $0x1  }
0xb4: {  	[sflag:s29] =	ssyncadd.s32 $0xFFFFFFFF  }
0xb5: {  	_ =	strace $0x90000048  }
0xb6: {  	_ =	sfence  }
0xb7: {  	s30 =	sld [smem:$0x0];
	_ =	sdelay $0x2  }
0xb8: {  	s31 =	sshll.u32 s1, $0xD;
	s1 =	sshrl.u32 s1, $0x2  }
0xb9: {  	s3 =	sand.u32 $0x4000, s31;
	s1 =	sadd.s32 s1, s30  }
0xba: {  	s0 =	sor.u32 s3, s0;
	s1 =	sshll.u32 s1, $0x11  }
0xbb: {  	s0 =	sor.u32 s1, s0  }
0xbc: {  	s0 =	sadd.s32 $0x8F2B, s0  }
0xbd: {  	[sflag:s0] =	ssyncadd.remote.s32 $0x1  }
0xbe: {  	_ =	sfence.sel $0xFFFF  }
0xbf: {  	[dreg:$0x0] =	wrdreg $0xFFFFFFFF;
	(pc) =	sbr.abs _section_cstart, $3  }
0xc0: {  	[dreg:$0x1] =	wrdreg $0xFFFFFFFF  }
0xc1: {  	_ =	task.clear_ibuf [dreg:s6], $0x2FFFF;
	_ =	strace $0x9FFFFFFF  }
0xc2: {  	(tm) =	ssettm $0x7FFFFFFF  }
0xc3: {  	_ =	shalt  }
tec
execute0_lowered:
.L_overlay_start_1:
0x0: {  	(tag) =	ssettag $0x1  }
0x1: {  	s0 =	srdreg.scid;
	s5 =	rddreg [dreg:$0x0]  }
0x2: {  	s2 =	rddreg [dreg:$0x1];
	s6 =	sand.u32 $0x1, s0  }
0x3: {  	s0 =	stileid.u32;
	s4 =	smul.u32 $0x13880, s6  }
0x4: {  	s1 =	rddreg [dreg:$0x2];
	s3 =	simm.s32 $0x0;
	s7 =	smul.u32 $0x1388, s0  }
0x5: {  	s12 =	simm.s32 $0x378;
	s13 =	simm.s32 $0x278;
	s8 =	smul.u32 $0x278, s0  }
0x6: {  	s14 =	simm.s32 $0x28;
	[smem:$0x7FF] =	sst s3;
	s30 =	smul.u32 $0x2780, s6  }
0x7: {  	s15 =	simm.s32 $0x0;
	_ =	strace $0x80000047;
	s6 =	ssub.s32 $0x2, s6  }
0x8: {  	s31 =	sshrl.u32 s6, $0x1;
	s4 =	sadd.s32 s7, s4;
	s7 =	sadd.s32 s8, s30  }
0x9: {  	s10 =	sshrl.u32 s8, $0x3;
	s11 =	ssub.s32 s6, s31;
	s6 =	sadd.s32 s8, s2  }
0xa: {  	s4 =	sshrl.u32 s4, $0x3;
	s7 =	sshrl.u32 s7, $0x3;
	s10 =	sadd.s32 s10, s5  }
0xb: {  	s8 =	smax.u32 s11, $0x1;
	s11 =	simm.s32 $0x1;
	s9 =	sadd.s32 s4, s5  }
0xc: {  	s4 =	sadd.s32 $0xBA00, s5;
	s7 =	sadd.s32 s7, s5;
	s5 =	sadd.s32 $0xBC00, s10  }
0xd: {  	s10 =	simm.s32 $0x2F8;
	s7 =	sadd.s32 $0xC200, s7;
	s9 =	sadd.s32 $0x1A00, s9  }
.LBB2_1:
0xe: {  	[tilespmem:s10], [sflag:$0x1] =	stream.linear.gather [hbm4b:s4+s3], $0x80, $0x38;
	[tilespmem:$0x5F8] =	vst v63  }
0xf: {  	_ =	swait.ge [sflag:s11], $0x80  }
0x10: {  	[sflag:s11] =	ssyncset.done $0x0  }
0x11: {  	[sflag:s11] =	ssyncadd.s32 $0xFFFFFF80  }
0x12: {  	[tilespmem:s12], [sflag:$0x1] =	stream.linear.gather [hbm4b:s5+s3], $0x278, $0x38;
	[tilespmem:$0x5F8] =	vst v63  }
0x13: {  	_ =	swait.ge [sflag:s11], $0x278  }
0x14: {  	[sflag:s11] =	ssyncset.done $0x0  }
0x15: {  	[sflag:s11] =	ssyncadd.s32 $0xFFFFFD88  }
0x16: {  	[spmem:s6] =	stream.linear.scatter [tilespmem:s12], [sflag:$0x1], $0x278, $0x38;
	[tilespmem:$0x5F8] =	vst v63  }
0x17: {  	_ =	swait.ge [sflag:s11], $0x278  }
0x18: {  	[sflag:s11] =	ssyncset.done $0x0  }
0x19: {  	[sflag:s11] =	ssyncadd.s32 $0xFFFFFD88  }
0x1a: {  	s16 =	sadd.s32 $0x0, s9;
	[bflag:$0x0] =	sbarrier.arrive $0xFFFF  }
0x1b: {  	[tilespmem:s13], [sflag:$0x1] =	stream.linear.gather [hbm4b:s16+s3], $0x28, $0x38;
	[tilespmem:$0x5F8] =	vst v63  }
0x1c: {  	_ =	swait.ge [sflag:s11], $0x28  }
0x1d: {  	[sflag:s11] =	ssyncset.done $0x0  }
0x1e: {  	[sflag:s11] =	ssyncadd.s32 $0xFFFFFFD8  }
0x1f: {  	[spmem:s2] =	stream.indirect.scatter.add.f32 [tilespmem:s10], [sflag:$0x1], $0x1, s13, s14, $0xb8;
	[tilespmem:$0x5F8] =	vst v63  }
0x20: {  	_ =	swait.ge [sflag:s11], $0x28  }
0x21: {  	s17 =	simm.s32 $0xA;
	s16 =	simm.s32 $0x5;
	[sflag:s11] =	ssyncset.done $0x0  }
.LBB2_2:
0x22: {  	s18 =	sadd.s32 s16, s9  }
0x23: {  	[sflag:s11] =	ssyncadd.s32 $0xFFFFFFD8;
	s16 =	smov.u32 s17;
	s19 =	sadd.s32 $0x5, s17  }
0x24: {  	[tilespmem:s13], [sflag:$0x1] =	stream.linear.gather [hbm4b:s18+s3], $0x28, $0x38;
	[tilespmem:$0x5F8] =	vst v63  }
0x25: {  	p0 =	sne.s32 s17, $0x26C;
	_ =	swait.ge [sflag:s11], $0x28  }
.Ltmp0:
0x26: {  	[sflag:s11] =	ssyncset.done $0x0;
	(pc) =	sbr.rel @p0 .LBB2_2-.Ltmp0, $4  }
0x27: {  	[sflag:s11] =	ssyncadd.s32 $0xFFFFFFD8  }
0x28: {  	[spmem:s2] =	stream.indirect.scatter.add.f32 [tilespmem:s10], [sflag:$0x1], $0x1, s13, s14, $0xb8;
	[tilespmem:$0x5F8] =	vst v63  }
0x29: {  	_ =	swait.ge [sflag:s11], $0x28  }
0x2a: {  	s17 =	smov.u32 s19;
	[sflag:s11] =	ssyncset.done $0x0  }
0x2b: {  	s16 =	sadd.s32 s16, s9;
	[sflag:s11] =	ssyncadd.s32 $0xFFFFFFD8  }
0x2c: {  	[tilespmem:s13], [sflag:$0x1] =	stream.linear.gather [hbm4b:s16+s3], $0x28, $0x38;
	[tilespmem:$0x5F8] =	vst v63  }
0x2d: {  	_ =	swait.ge [sflag:s11], $0x28  }
0x2e: {  	[sflag:s11] =	ssyncset.done $0x0  }
0x2f: {  	[sflag:s11] =	ssyncadd.s32 $0xFFFFFFD8  }
0x30: {  	[spmem:s2] =	stream.indirect.scatter.add.f32 [tilespmem:s10], [sflag:$0x1], $0x1, s13, s14, $0xb8;
	[tilespmem:$0x5F8] =	vst v63  }
0x31: {  	_ =	swait.ge [sflag:s11], $0x28  }
0x32: {  	[sflag:s11] =	ssyncset.done $0x0  }
0x33: {  	[sflag:s11] =	ssyncadd.s32 $0xFFFFFFD8  }
0x34: {  	[bflag:$0x0] =	sbarrier.arrive $0xFFFF  }
0x35: {  	[tilespmem:s12], [sflag:$0x1] =	stream.linear.gather [spmem:s6], $0x278, $0x38;
	[tilespmem:$0x5F8] =	vst v63  }
0x36: {  	s15 =	sadd.s32 $0x1, s15;
	_ =	swait.ge [sflag:s11], $0x278  }
0x37: {  	p0 =	sne.s32 s15, s8;
	[sflag:s11] =	ssyncset.done $0x0  }
.Ltmp1:
0x38: {  	[sflag:s11] =	ssyncadd.s32 $0xFFFFFD88;
	(pc) =	sbr.rel @p0 .LBB2_1-.Ltmp1, $4  }
0x39: {  	[hbm4b:s7+s3] =	stream.linear.scatter [tilespmem:s12], [sflag:$0x1], $0x278, $0x38;
	[tilespmem:$0x5F8] =	vst v63  }
0x3a: {  	_ =	swait.ge [sflag:s11], $0x278  }
0x3b: {  	[sflag:s11] =	ssyncset.done $0x0  }
0x3c: {  	[sflag:s11] =	ssyncadd.s32 $0xFFFFFD88  }
0x3d: {  	_ =	sfence.sel $0x180000  }
0x3e: {  	[bflag:$0x0] =	sbarrier.arrive $0xFFFF  }
0x3f: {  	p0 =	sne.s32 s0, $0x0;
	_ =	strace $0x90000047  }
0x40: {  	s0 =	sadd.s32 @!p0 $0x100000, s1;
	[bflag:$0x2] =	sbarrier.arrive $0xFFFF  }
0x41: {  	[sflag:s0] =	ssyncadd.tile.s32 @!p0 $0x1;
	_ =	shalt  }
.Lfunc_end2:
_tile_overlayer_lowered:
.L_overlay_start_2:
0x42: {  	(tag) =	ssettag $0x2  }
0x43: {  	s0 =	rddreg [dreg:$0x0];
	s2 =	stileid.u32  }
0x44: {  	s1 =	rddreg [dreg:$0x1];
	p0 =	sne.s32 s2, $0x0  }
0x45: {  	s3 =	rddreg [dreg:$0x2];
	[bflag:$0x3] =	sbarrier.arrive $0xFFFF;
	s2 =	simm.s32 @!p0 $0x1C01  }
0x46: {  	[timem:s3], [sflag:s2] =	dma.local @!p0 [hbm:s0], s1  }
0x47: {  	s0 =	simm.s32 @!p0 $0x1  }
0x48: {  	_ =	swait.ge @!p0 [sflag:s0], s1  }
0x49: {  	s1 =	ssub.s32 @!p0 $0x0, s1;
	[sflag:s0] =	ssyncset.done @!p0 $0x0  }
0x4a: {  	[sflag:s0] =	ssyncadd.s32 @!p0 s1  }
0x4b: {  	[bflag:$0x3] =	sbarrier.arrive $0xFFFF  }
0x4c: {  	_ =	shalt  }

</sc_bundles>
